<compile_context>
chip_gen: v7x
topology: tpu7x:2x2x1
jax: 0.10.2.dev20260603
libtpu: 0.0.44.dev20260713+nightly
codegen_flags: <defaults>
</compile_context>

<pallas_src>
import functools

import jax
import jax.numpy as jnp
from jax import lax
from jax.experimental import pallas as pl
from jax.experimental.pallas import tpu as pltpu
from jax.experimental.pallas import tpu_sc as plsc

B = 128
N = 32768
NC = 2
NS = 16
NW = NC * NS

CSTR = 8
W = N // CSTR
W2 = W // 2
RGRP = NW // CSTR
RPW = B // RGRP
RB = 4
NB = RPW // RB
NBP = NB // 2
L = 16


def _body(x_hbm, w_hbm, b_hbm, out_hbm,
          xb0, xb1, ob0, ob1, wt, bt, wfi, bfi, si0, si1, so0, so1):
    wid = lax.axis_index("s") * NC + lax.axis_index("c")
    cs = wid % CSTR
    rg = wid // CSTR
    c0 = pl.multiple_of(cs * W, 8)
    h0 = pl.multiple_of(cs * W2, 8)
    r0 = rg * RPW

    nanv = jnp.full((L,), jnp.nan, dtype=jnp.float32)
    zerov = jnp.zeros((L,), dtype=jnp.float32)
    iota = lax.iota(jnp.int32, L)
    iota2 = iota * 2
    perm = iota ^ 1

    def in_copy(blk, xb, sem):
        row = r0 + blk * RB
        return pltpu.make_async_copy(
            x_hbm.at[pl.ds(row, RB), pl.ds(c0, W)], xb, sem)

    def out_copy(blk, ob, sem):
        row = r0 + blk * RB
        return pltpu.make_async_copy(
            ob, out_hbm.at[pl.ds(row, RB), 0, pl.ds(c0, W)], sem)

    def compute(xb, ob):
        @plsc.parallel_loop(0, W, step=L, unroll=4)
        def _vec(o):
            wv = wfi[pl.ds(o, L)]
            bv = bfi[pl.ds(o, L)]
            io = o + perm
            for r in range(RB):
                rv = jnp.full((L,), r, dtype=jnp.int32)
                xv = xb[r, pl.ds(o, L)]
                plsc.store_scatter(ob, [rv, io], xv * wv + bv)

    in_copy(0, xb0, si0).start()
    in_copy(1, xb1, si1).start()

    pltpu.sync_copy(w_hbm.at[pl.ds(h0, W2)], wt)
    pltpu.sync_copy(b_hbm.at[pl.ds(h0, W2)], bt)

    @plsc.parallel_loop(0, W, step=L, unroll=4)
    def _fill(o):
        wfi[pl.ds(o, L)] = zerov
        bfi[pl.ds(o, L)] = nanv

    @plsc.parallel_loop(0, W2, step=L, unroll=4)
    def _inter(j):
        ie = j * 2 + iota2
        plsc.store_scatter(wfi, [ie], wt[pl.ds(j, L)])
        plsc.store_scatter(bfi, [ie], bt[pl.ds(j, L)])

    @pl.loop(0, NBP)
    def _pair(g):
        blk0 = g * 2
        blk1 = blk0 + 1

        in_copy(blk0, xb0, si0).wait()

        @pl.when(g > 0)
        def _():
            out_copy(blk0 - 2, ob0, so0).wait()

        compute(xb0, ob0)
        out_copy(blk0, ob0, so0).start()

        @pl.when(g < NBP - 1)
        def _():
            in_copy(blk0 + 2, xb0, si0).start()

        in_copy(blk1, xb1, si1).wait()

        @pl.when(g > 0)
        def _():
            out_copy(blk1 - 2, ob1, so1).wait()

        compute(xb1, ob1)
        out_copy(blk1, ob1, so1).start()

        @pl.when(g < NBP - 1)
        def _():
            in_copy(blk1 + 2, xb1, si1).start()

    out_copy(NB - 2, ob0, so0).wait()
    out_copy(NB - 1, ob1, so1).wait()


def kernel(x, w, b):
    mesh = plsc.VectorSubcoreMesh(core_axis_name="c", subcore_axis_name="s")
    run = functools.partial(
        pl.kernel,
        out_type=jax.ShapeDtypeStruct((B, 1, N), jnp.float32),
        mesh=mesh,
        scratch_types=[
            pltpu.VMEM((RB, W), jnp.float32),
            pltpu.VMEM((RB, W), jnp.float32),
            pltpu.VMEM((RB, W), jnp.float32),
            pltpu.VMEM((RB, W), jnp.float32),
            pltpu.VMEM((W2,), jnp.float32),
            pltpu.VMEM((W2,), jnp.float32),
            pltpu.VMEM((W,), jnp.float32),
            pltpu.VMEM((W,), jnp.float32),
            pltpu.SemaphoreType.DMA,
            pltpu.SemaphoreType.DMA,
            pltpu.SemaphoreType.DMA,
            pltpu.SemaphoreType.DMA,
        ],
        compiler_params=pltpu.CompilerParams(needs_layout_passes=False),
    )(_body)
    return run(x, w, b)

# --- scband reference (transcript-rebuilt; emitter-appended) ---
"""Pipeline reference for scband-masked-conditioner-28664611733683 (READ-ONLY COPY).

The authoritative reference and input builder live on the scoring server;
editing this copy changes nothing except your own understanding.
"""

import jax, jax.numpy as jnp
import numpy as np

B = 128
N = 32768
# get_mask: standard checkerboard coupling-layer mask (concrete realization of the abstract get_mask)
MASK = (np.arange(N) % 2 == 0)
IDX_IN = np.nonzero(MASK)[0]        # indices selected by index_input_with_mask
IDX_OUT = np.nonzero(~MASK)[0]      # indices filled by scatter_output_into_nantensor
N_HALF = int(MASK.sum())
N_OUT = int((~MASK).sum())


def setup_inputs(seed: int = 0) -> dict:
    key = jax.random.key(seed)
    k1, k2, k3 = jax.random.split(key, 3)
    x = jax.random.normal(k1, (B, N), dtype=jnp.float32)
    # learned elementwise conditioner parameters (the wrapped conditioner net)
    w = jax.random.normal(k2, (N_HALF,), dtype=jnp.float32) * 0.02
    b = jax.random.normal(k3, (N_HALF,), dtype=jnp.float32) * 0.02
    return {"x": x, "w": w, "b": b}


def reference(x, w, b):
    # index_input_with_mask: x[:, mask]
    h = jnp.take(x, IDX_IN, axis=1)
    # conditioner network producing params (must be dim == 2 per the assert)
    params = h * w + b
    Bn, P = params.shape
    C = P // N_OUT  # params[0].numel() // (~mask).sum()  -> 1
    # scatter_output_into_nantensor: full NaN tensor of shape [B, C, *mask.shape],
    # then masked_scatter params into positions where mask is False
    nan_t = jnp.full((Bn, C, N), jnp.nan, dtype=params.dtype)
    out = nan_t.at[:, :, IDX_OUT].set(params.reshape(Bn, C, N_OUT))
    return out

if __name__ == "__main__":
    import jax
    _d = setup_inputs()
    print(jax.jit(kernel)(*tuple(_d.values())))

</pallas_src>

<mosaic_0001>
#map = affine_map<(d0, d1) -> (0, 0)>
#map1 = affine_map<(d0, d1) -> (0)>
#map2 = affine_map<(d0, d1) -> (0, 0, 0)>
module attributes {stable_mosaic.version = 14 : i64} {
  func.func @_body(%arg0: i32, %arg1: i32, %arg2: memref<128x32768xf32, #tpu.memory_space<hbm>>, %arg3: memref<16384xf32, #tpu.memory_space<hbm>>, %arg4: memref<16384xf32, #tpu.memory_space<hbm>>, %arg5: memref<128x1x32768xf32, #tpu.memory_space<hbm>>, %arg6: memref<4x4096xf32, #tpu.memory_space<vmem>>, %arg7: memref<4x4096xf32, #tpu.memory_space<vmem>>, %arg8: memref<4x4096xf32, #tpu.memory_space<vmem>>, %arg9: memref<4x4096xf32, #tpu.memory_space<vmem>>, %arg10: memref<2048xf32, #tpu.memory_space<vmem>>, %arg11: memref<2048xf32, #tpu.memory_space<vmem>>, %arg12: memref<4096xf32, #tpu.memory_space<vmem>>, %arg13: memref<4096xf32, #tpu.memory_space<vmem>>, %arg14: memref<!tpu.dma_semaphore, #tpu.memory_space<semaphore_mem>>, %arg15: memref<!tpu.dma_semaphore, #tpu.memory_space<semaphore_mem>>, %arg16: memref<!tpu.dma_semaphore, #tpu.memory_space<semaphore_mem>>, %arg17: memref<!tpu.dma_semaphore, #tpu.memory_space<semaphore_mem>>) attributes {dimension_semantics = [#tpu.dimension_semantics<core_parallel>, #tpu.dimension_semantics<subcore_parallel>], iteration_bounds = array<i64: 2, 16>, scalar_prefetch = 0 : i64, scratch_operands = 12 : i64, tpu.core_type = #tpu.core_type<sc_vector_subcore>, window_params = [{transform_indices = #map}, {transform_indices = #map1}, {transform_indices = #map1}, {transform_indices = #map2}]} {
    %mul3A = arith.constant 2 : i32
    %mul3A_0 = arith.muli %arg1, %mul3A : i32
    %add3A = arith.addi %mul3A_0, %arg0 : i32
    %jit3A = arith.constant 8 : i32
    %eq3A = arith.constant 0 : i32
    %eq3A_1 = arith.cmpi eq, %jit3A, %eq3A : i32
    %jit3A_2 = arith.constant 1 : i32
    %select_n3A = arith.select %eq3A_1, %jit3A_2, %jit3A : i32
    %rem3A = arith.remsi %add3A, %select_n3A : i32
    %ne3A = arith.constant 0 : i32
    %ne3A_3 = arith.cmpi ne, %rem3A, %ne3A : i32
    %lt3A = arith.constant 0 : i32
    %lt3A_4 = arith.cmpi slt, %rem3A, %lt3A : i32
    %lt3A_5 = arith.constant 0 : i32
    %lt3A_6 = arith.cmpi slt, %select_n3A, %lt3A_5 : i32
    %ne3A_7 = arith.xori %lt3A_4, %lt3A_6 : i1
    %and3A = arith.andi %ne3A_7, %ne3A_3 : i1
    %add3A_8 = arith.addi %rem3A, %select_n3A : i32
    %select_n3A_9 = arith.select %and3A, %add3A_8, %rem3A : i32
    %jit3A_10 = arith.constant 8 : i32
    %div3A = arith.divsi %add3A, %jit3A_10 : i32
    %sign3A = arith.constant 0 : i32
    %sign3A_11 = arith.cmpi sgt, %add3A, %sign3A : i32
    %sign3A_12 = arith.extui %sign3A_11 : i1 to i32
    %sign3A_13 = arith.constant 0 : i32
    %sign3A_14 = arith.cmpi slt, %add3A, %sign3A_13 : i32
    %sign3A_15 = arith.extui %sign3A_14 : i1 to i32
    %sign3A_16 = arith.subi %sign3A_12, %sign3A_15 : i32
    %sign3A_17 = arith.constant 0 : i32
    %sign3A_18 = arith.cmpi sgt, %jit3A_10, %sign3A_17 : i32
    %sign3A_19 = arith.extui %sign3A_18 : i1 to i32
    %sign3A_20 = arith.constant 0 : i32
    %sign3A_21 = arith.cmpi slt, %jit3A_10, %sign3A_20 : i32
    %sign3A_22 = arith.extui %sign3A_21 : i1 to i32
    %sign3A_23 = arith.subi %sign3A_19, %sign3A_22 : i32
    %ne3A_24 = arith.cmpi ne, %sign3A_16, %sign3A_23 : i32
    %rem3A_25 = arith.remsi %add3A, %jit3A_10 : i32
    %ne3A_26 = arith.constant 0 : i32
    %ne3A_27 = arith.cmpi ne, %rem3A_25, %ne3A_26 : i32
    %and3A_28 = arith.andi %ne3A_24, %ne3A_27 : i1
    %sub3A = arith.constant 1 : i32
    %sub3A_29 = arith.subi %div3A, %sub3A : i32
    %select_n3A_30 = arith.select %and3A_28, %sub3A_29, %div3A : i32
    %mul3A_31 = arith.constant 4096 : i32
    %mul3A_32 = arith.muli %select_n3A_9, %mul3A_31 : i32
    %multiple_of3A = tpu.assume_multiple %mul3A_32, 8 : i32
    %mul3A_33 = arith.constant 2048 : i32
    %mul3A_34 = arith.muli %select_n3A_9, %mul3A_33 : i32
    %multiple_of3A_35 = tpu.assume_multiple %mul3A_34, 8 : i32
    %mul3A_36 = arith.constant 32 : i32
    %mul3A_37 = arith.muli %select_n3A_30, %mul3A_36 : i32
    %broadcast_in_dim3A = arith.constant 0x7FC00000 : f32
    %broadcast_in_dim3A_38 = vector.broadcast %broadcast_in_dim3A : f32 to vector<16xf32>
    %broadcast_in_dim3A_39 = arith.constant 0.000000e+00 : f32
    %broadcast_in_dim3A_40 = vector.broadcast %broadcast_in_dim3A_39 : f32 to vector<16xf32>
    %iota3A = tpu.iota {dimensions = array<i32: 0>} : vector<16xi32>
    %mul3A_41 = arith.constant 2 : i32
    %mul3A_42 = vector.broadcast %mul3A_41 : i32 to vector<16xi32>
    %mul3A_43 = arith.muli %iota3A, %mul3A_42 : vector<16xi32>
    %xor3A = arith.constant 1 : i32
    %xor3A_44 = vector.broadcast %xor3A : i32 to vector<16xi32>
    %xor3A_45 = arith.xori %iota3A, %xor3A_44 : vector<16xi32>
    %add3A_46 = arith.constant 0 : i32
    %add3A_47 = arith.addi %mul3A_37, %add3A_46 : i32
    %dma_start3A = tpu.memref_slice %arg2[%add3A_47, %multiple_of3A] : memref<128x32768xf32, #tpu.memory_space<hbm>> -> memref<4x4096xf32, #tpu.memory_space<hbm>>
    %dma_start3A_48 = tpu.memref_slice %arg2[%add3A_47, %multiple_of3A] : memref<128x32768xf32, #tpu.memory_space<hbm>> -> memref<4x4096xf32, #tpu.memory_space<hbm>>
    tpu.enqueue_dma source(%dma_start3A_48 : memref<4x4096xf32, #tpu.memory_space<hbm>>) target(%arg6 : memref<4x4096xf32, #tpu.memory_space<vmem>>) target_semaphore(%arg14 : memref<!tpu.dma_semaphore, #tpu.memory_space<semaphore_mem>>)
    %add3A_49 = arith.constant 4 : i32
    %add3A_50 = arith.addi %mul3A_37, %add3A_49 : i32
    %dma_start3A_51 = tpu.memref_slice %arg2[%add3A_50, %multiple_of3A] : memref<128x32768xf32, #tpu.memory_space<hbm>> -> memref<4x4096xf32, #tpu.memory_space<hbm>>
    %dma_start3A_52 = tpu.memref_slice %arg2[%add3A_50, %multiple_of3A] : memref<128x32768xf32, #tpu.memory_space<hbm>> -> memref<4x4096xf32, #tpu.memory_space<hbm>>
    tpu.enqueue_dma source(%dma_start3A_52 : memref<4x4096xf32, #tpu.memory_space<hbm>>) target(%arg7 : memref<4x4096xf32, #tpu.memory_space<vmem>>) target_semaphore(%arg15 : memref<!tpu.dma_semaphore, #tpu.memory_space<semaphore_mem>>)
    "tpu.region"() ({
      %run_scoped3A = tpu.sem_alloc : memref<!tpu.dma_semaphore, #tpu.memory_space<semaphore_mem>>
      %dma_start3A_75 = tpu.memref_slice %arg3[%multiple_of3A_35] : memref<16384xf32, #tpu.memory_space<hbm>> -> memref<2048xf32, #tpu.memory_space<hbm>>
      %dma_start3A_76 = tpu.memref_slice %arg3[%multiple_of3A_35] : memref<16384xf32, #tpu.memory_space<hbm>> -> memref<2048xf32, #tpu.memory_space<hbm>>
      tpu.enqueue_dma source(%dma_start3A_76 : memref<2048xf32, #tpu.memory_space<hbm>>) target(%arg10 : memref<2048xf32, #tpu.memory_space<vmem>>) target_semaphore(%run_scoped3A : memref<!tpu.dma_semaphore, #tpu.memory_space<semaphore_mem>>)
      %dma_wait3A_77 = tpu.memref_slice %arg3[%multiple_of3A_35] : memref<16384xf32, #tpu.memory_space<hbm>> -> memref<2048xf32, #tpu.memory_space<hbm>>
      %dma_wait3A_78 = tpu.memref_slice %arg3[%multiple_of3A_35] : memref<16384xf32, #tpu.memory_space<hbm>> -> memref<2048xf32, #tpu.memory_space<hbm>>
      tpu.wait_dma2 semaphore(%run_scoped3A : memref<!tpu.dma_semaphore, #tpu.memory_space<semaphore_mem>>) src(%dma_wait3A_78 : memref<2048xf32, #tpu.memory_space<hbm>>) dst(%arg10 : memref<2048xf32, #tpu.memory_space<vmem>>)
      tpu.yield
    }) : () -> ()
    "tpu.region"() ({
      %run_scoped3A = tpu.sem_alloc : memref<!tpu.dma_semaphore, #tpu.memory_space<semaphore_mem>>
      %dma_start3A_75 = tpu.memref_slice %arg4[%multiple_of3A_35] : memref<16384xf32, #tpu.memory_space<hbm>> -> memref<2048xf32, #tpu.memory_space<hbm>>
      %dma_start3A_76 = tpu.memref_slice %arg4[%multiple_of3A_35] : memref<16384xf32, #tpu.memory_space<hbm>> -> memref<2048xf32, #tpu.memory_space<hbm>>
      tpu.enqueue_dma source(%dma_start3A_76 : memref<2048xf32, #tpu.memory_space<hbm>>) target(%arg11 : memref<2048xf32, #tpu.memory_space<vmem>>) target_semaphore(%run_scoped3A : memref<!tpu.dma_semaphore, #tpu.memory_space<semaphore_mem>>)
      %dma_wait3A_77 = tpu.memref_slice %arg4[%multiple_of3A_35] : memref<16384xf32, #tpu.memory_space<hbm>> -> memref<2048xf32, #tpu.memory_space<hbm>>
      %dma_wait3A_78 = tpu.memref_slice %arg4[%multiple_of3A_35] : memref<16384xf32, #tpu.memory_space<hbm>> -> memref<2048xf32, #tpu.memory_space<hbm>>
      tpu.wait_dma2 semaphore(%run_scoped3A : memref<!tpu.dma_semaphore, #tpu.memory_space<semaphore_mem>>) src(%dma_wait3A_78 : memref<2048xf32, #tpu.memory_space<hbm>>) dst(%arg11 : memref<2048xf32, #tpu.memory_space<vmem>>)
      tpu.yield
    }) : () -> ()
    %parallel_loop3A = arith.constant 0 : i32
    %parallel_loop3A_53 = arith.constant 4096 : i32
    %parallel_loop3A_54 = arith.constant 16 : i32
    scf.for %parallel_loop3A_75 = %parallel_loop3A to %parallel_loop3A_53 step %parallel_loop3A_54  : i32 {
      %parallel_loop3A_76 = arith.index_cast %parallel_loop3A_75 : i32 to index
      %parallel_loop3A_77 = tpu.vector_load %arg12[%parallel_loop3A_76] {strides = array<i32>} : memref<4096xf32, #tpu.memory_space<vmem>>, vector<16xf32>,
      tpu.vector_store %arg12[%parallel_loop3A_76], %broadcast_in_dim3A_40 {strides = array<i32>} : memref<4096xf32, #tpu.memory_space<vmem>>, vector<16xf32>,
      %parallel_loop3A_78 = arith.index_cast %parallel_loop3A_75 : i32 to index
      %parallel_loop3A_79 = tpu.vector_load %arg13[%parallel_loop3A_78] {strides = array<i32>} : memref<4096xf32, #tpu.memory_space<vmem>>, vector<16xf32>,
      tpu.vector_store %arg13[%parallel_loop3A_78], %broadcast_in_dim3A_38 {strides = array<i32>} : memref<4096xf32, #tpu.memory_space<vmem>>, vector<16xf32>,
    } {sc.loop_unroll_factor = 4 : i64, sc.parallel_access}
    %parallel_loop3A_55 = arith.constant 0 : i32
    %parallel_loop3A_56 = arith.constant 2048 : i32
    %parallel_loop3A_57 = arith.constant 16 : i32
    scf.for %parallel_loop3A_75 = %parallel_loop3A_55 to %parallel_loop3A_56 step %parallel_loop3A_57  : i32 {
      %parallel_loop3A_76 = arith.constant 2 : i32
      %parallel_loop3A_77 = arith.muli %parallel_loop3A_75, %parallel_loop3A_76 : i32
      %parallel_loop3A_78 = vector.broadcast %parallel_loop3A_77 : i32 to vector<16xi32>
      %parallel_loop3A_79 = arith.addi %parallel_loop3A_78, %mul3A_43 : vector<16xi32>
      %parallel_loop3A_80 = arith.index_cast %parallel_loop3A_75 : i32 to index
      %parallel_loop3A_81 = tpu.vector_load %arg10[%parallel_loop3A_80] {strides = array<i32>} : memref<2048xf32, #tpu.memory_space<vmem>>, vector<16xf32>,
      tpu.vector_store_idx %arg12[%parallel_loop3A_79], %parallel_loop3A_81 : memref<4096xf32, #tpu.memory_space<vmem>>[vector<16xi32>], vector<16xf32>,
      %parallel_loop3A_82 = arith.index_cast %parallel_loop3A_75 : i32 to index
      %parallel_loop3A_83 = tpu.vector_load %arg11[%parallel_loop3A_82] {strides = array<i32>} : memref<2048xf32, #tpu.memory_space<vmem>>, vector<16xf32>,
      tpu.vector_store_idx %arg13[%parallel_loop3A_79], %parallel_loop3A_83 : memref<4096xf32, #tpu.memory_space<vmem>>[vector<16xi32>], vector<16xf32>,
    } {sc.loop_unroll_factor = 4 : i64, sc.parallel_access}
    %scan3A = arith.constant 0 : i32
    %scan3A_58 = arith.constant 4 : i32
    %scan3A_59 = arith.addi %scan3A, %scan3A_58 : i32
    %scan3A_60 = arith.constant 1 : i32
    scf.for %scan3A_75 = %scan3A to %scan3A_59 step %scan3A_60  : i32 {
      %mul3A_76 = arith.constant 1 : i32
      %mul3A_77 = arith.muli %scan3A_75, %mul3A_76 : i32
      %add3A_78 = arith.constant 0 : i32
      %add3A_79 = arith.addi %add3A_78, %mul3A_77 : i32
      %mul3A_80 = arith.constant 2 : i32
      %mul3A_81 = arith.muli %add3A_79, %mul3A_80 : i32
      %add3A_82 = arith.constant 1 : i32
      %add3A_83 = arith.addi %mul3A_81, %add3A_82 : i32
      %mul3A_84 = arith.constant 4 : i32
      %mul3A_85 = arith.muli %mul3A_81, %mul3A_84 : i32
      %add3A_86 = arith.addi %mul3A_37, %mul3A_85 : i32
      %dma_wait3A_87 = tpu.memref_slice %arg2[%add3A_86, %multiple_of3A] : memref<128x32768xf32, #tpu.memory_space<hbm>> -> memref<4x4096xf32, #tpu.memory_space<hbm>>
      %dma_wait3A_88 = tpu.memref_slice %arg2[%add3A_86, %multiple_of3A] : memref<128x32768xf32, #tpu.memory_space<hbm>> -> memref<4x4096xf32, #tpu.memory_space<hbm>>
      tpu.wait_dma2 semaphore(%arg14 : memref<!tpu.dma_semaphore, #tpu.memory_space<semaphore_mem>>) src(%dma_wait3A_88 : memref<4x4096xf32, #tpu.memory_space<hbm>>) dst(%arg6 : memref<4x4096xf32, #tpu.memory_space<vmem>>)
      %gt3A = arith.constant 0 : i32
      %gt3A_89 = arith.cmpi sgt, %add3A_79, %gt3A : i32
      %convert_element_type3A = arith.extui %gt3A_89 : i1 to i32
      %cond3A = arith.constant 0 : i32
      %cond3A_90 = arith.cmpi ne, %convert_element_type3A, %cond3A : i32
      scf.if %cond3A_90 {
        %sub3A_133 = arith.constant 2 : i32
        %sub3A_134 = arith.subi %mul3A_81, %sub3A_133 : i32
        %mul3A_135 = arith.constant 4 : i32
        %mul3A_136 = arith.muli %sub3A_134, %mul3A_135 : i32
        %add3A_137 = arith.addi %mul3A_37, %mul3A_136 : i32
        %dma_wait3A_138 = arith.constant 0 : i32
        %dma_wait3A_139 = tpu.memref_slice %arg5[%add3A_137, %dma_wait3A_138, %multiple_of3A] : memref<128x1x32768xf32, #tpu.memory_space<hbm>> -> memref<4x1x4096xf32, #tpu.memory_space<hbm>>
        %dma_wait3A_140 = tpu.memref_squeeze %dma_wait3A_139 : memref<4x1x4096xf32, #tpu.memory_space<hbm>> -> memref<4x4096xf32, #tpu.memory_space<hbm>>
        %dma_wait3A_141 = tpu.memref_slice %arg5[%add3A_137, %dma_wait3A_138, %multiple_of3A] : memref<128x1x32768xf32, #tpu.memory_space<hbm>> -> memref<4x1x4096xf32, #tpu.memory_space<hbm>>
        %dma_wait3A_142 = tpu.memref_squeeze %dma_wait3A_141 : memref<4x1x4096xf32, #tpu.memory_space<hbm>> -> memref<4x4096xf32, #tpu.memory_space<hbm>>
        tpu.wait_dma2 semaphore(%arg16 : memref<!tpu.dma_semaphore, #tpu.memory_space<semaphore_mem>>) src(%arg8 : memref<4x4096xf32, #tpu.memory_space<vmem>>) dst(%dma_wait3A_142 : memref<4x4096xf32, #tpu.memory_space<hbm>>)
      } else {
      }
      %parallel_loop3A_91 = arith.constant 0 : i32
      %parallel_loop3A_92 = arith.constant 4096 : i32
      %parallel_loop3A_93 = arith.constant 16 : i32
      scf.for %parallel_loop3A_133 = %parallel_loop3A_91 to %parallel_loop3A_92 step %parallel_loop3A_93  : i32 {
        %parallel_loop3A_134 = arith.index_cast %parallel_loop3A_133 : i32 to index
        %parallel_loop3A_135 = tpu.vector_load %arg12[%parallel_loop3A_134] {strides = array<i32>} : memref<4096xf32, #tpu.memory_space<vmem>>, vector<16xf32>,
        %parallel_loop3A_136 = arith.index_cast %parallel_loop3A_133 : i32 to index
        %parallel_loop3A_137 = tpu.vector_load %arg13[%parallel_loop3A_136] {strides = array<i32>} : memref<4096xf32, #tpu.memory_space<vmem>>, vector<16xf32>,
        %parallel_loop3A_138 = vector.broadcast %parallel_loop3A_133 : i32 to vector<16xi32>
        %parallel_loop3A_139 = arith.addi %parallel_loop3A_138, %xor3A_45 : vector<16xi32>
        %parallel_loop3A_140 = arith.constant 0 : i32
        %parallel_loop3A_141 = vector.broadcast %parallel_loop3A_140 : i32 to vector<16xi32>
        %parallel_loop3A_142 = arith.constant 0 : i32
        %parallel_loop3A_143 = arith.index_cast %parallel_loop3A_142 : i32 to index
        %parallel_loop3A_144 = arith.index_cast %parallel_loop3A_133 : i32 to index
        %parallel_loop3A_145 = tpu.vector_load %arg6[%parallel_loop3A_143, %parallel_loop3A_144] {strides = array<i32>} : memref<4x4096xf32, #tpu.memory_space<vmem>>, vector<16xf32>,
        %parallel_loop3A_146 = arith.mulf %parallel_loop3A_145, %parallel_loop3A_135 : vector<16xf32>
        %parallel_loop3A_147 = arith.addf %parallel_loop3A_146, %parallel_loop3A_137 : vector<16xf32>
        tpu.vector_store_idx %arg8[%parallel_loop3A_141, %parallel_loop3A_139], %parallel_loop3A_147 : memref<4x4096xf32, #tpu.memory_space<vmem>>[vector<16xi32>, vector<16xi32>], vector<16xf32>,
        %parallel_loop3A_148 = arith.constant 1 : i32
        %parallel_loop3A_149 = vector.broadcast %parallel_loop3A_148 : i32 to vector<16xi32>
        %parallel_loop3A_150 = arith.constant 1 : i32
        %parallel_loop3A_151 = arith.index_cast %parallel_loop3A_150 : i32 to index
        %parallel_loop3A_152 = arith.index_cast %parallel_loop3A_133 : i32 to index
        %parallel_loop3A_153 = tpu.vector_load %arg6[%parallel_loop3A_151, %parallel_loop3A_152] {strides = array<i32>} : memref<4x4096xf32, #tpu.memory_space<vmem>>, vector<16xf32>,
        %parallel_loop3A_154 = arith.mulf %parallel_loop3A_153, %parallel_loop3A_135 : vector<16xf32>
        %parallel_loop3A_155 = arith.addf %parallel_loop3A_154, %parallel_loop3A_137 : vector<16xf32>
        tpu.vector_store_idx %arg8[%parallel_loop3A_149, %parallel_loop3A_139], %parallel_loop3A_155 : memref<4x4096xf32, #tpu.memory_space<vmem>>[vector<16xi32>, vector<16xi32>], vector<16xf32>,
        %parallel_loop3A_156 = arith.constant 2 : i32
        %parallel_loop3A_157 = vector.broadcast %parallel_loop3A_156 : i32 to vector<16xi32>
        %parallel_loop3A_158 = arith.constant 2 : i32
        %parallel_loop3A_159 = arith.index_cast %parallel_loop3A_158 : i32 to index
        %parallel_loop3A_160 = arith.index_cast %parallel_loop3A_133 : i32 to index
        %parallel_loop3A_161 = tpu.vector_load %arg6[%parallel_loop3A_159, %parallel_loop3A_160] {strides = array<i32>} : memref<4x4096xf32, #tpu.memory_space<vmem>>, vector<16xf32>,
        %parallel_loop3A_162 = arith.mulf %parallel_loop3A_161, %parallel_loop3A_135 : vector<16xf32>
        %parallel_loop3A_163 = arith.addf %parallel_loop3A_162, %parallel_loop3A_137 : vector<16xf32>
        tpu.vector_store_idx %arg8[%parallel_loop3A_157, %parallel_loop3A_139], %parallel_loop3A_163 : memref<4x4096xf32, #tpu.memory_space<vmem>>[vector<16xi32>, vector<16xi32>], vector<16xf32>,
        %parallel_loop3A_164 = arith.constant 3 : i32
        %parallel_loop3A_165 = vector.broadcast %parallel_loop3A_164 : i32 to vector<16xi32>
        %parallel_loop3A_166 = arith.constant 3 : i32
        %parallel_loop3A_167 = arith.index_cast %parallel_loop3A_166 : i32 to index
        %parallel_loop3A_168 = arith.index_cast %parallel_loop3A_133 : i32 to index
        %parallel_loop3A_169 = tpu.vector_load %arg6[%parallel_loop3A_167, %parallel_loop3A_168] {strides = array<i32>} : memref<4x4096xf32, #tpu.memory_space<vmem>>, vector<16xf32>,
        %parallel_loop3A_170 = arith.mulf %parallel_loop3A_169, %parallel_loop3A_135 : vector<16xf32>
        %parallel_loop3A_171 = arith.addf %parallel_loop3A_170, %parallel_loop3A_137 : vector<16xf32>
        tpu.vector_store_idx %arg8[%parallel_loop3A_165, %parallel_loop3A_139], %parallel_loop3A_171 : memref<4x4096xf32, #tpu.memory_space<vmem>>[vector<16xi32>, vector<16xi32>], vector<16xf32>,
      } {sc.loop_unroll_factor = 4 : i64, sc.parallel_access}
      %mul3A_94 = arith.constant 4 : i32
      %mul3A_95 = arith.muli %mul3A_81, %mul3A_94 : i32
      %add3A_96 = arith.addi %mul3A_37, %mul3A_95 : i32
      %dma_start3A_97 = arith.constant 0 : i32
      %dma_start3A_98 = tpu.memref_slice %arg5[%add3A_96, %dma_start3A_97, %multiple_of3A] : memref<128x1x32768xf32, #tpu.memory_space<hbm>> -> memref<4x1x4096xf32, #tpu.memory_space<hbm>>
      %dma_start3A_99 = tpu.memref_squeeze %dma_start3A_98 : memref<4x1x4096xf32, #tpu.memory_space<hbm>> -> memref<4x4096xf32, #tpu.memory_space<hbm>>
      %dma_start3A_100 = tpu.memref_slice %arg5[%add3A_96, %dma_start3A_97, %multiple_of3A] : memref<128x1x32768xf32, #tpu.memory_space<hbm>> -> memref<4x1x4096xf32, #tpu.memory_space<hbm>>
      %dma_start3A_101 = tpu.memref_squeeze %dma_start3A_100 : memref<4x1x4096xf32, #tpu.memory_space<hbm>> -> memref<4x4096xf32, #tpu.memory_space<hbm>>
      tpu.enqueue_dma source(%arg8 : memref<4x4096xf32, #tpu.memory_space<vmem>>) target(%dma_start3A_101 : memref<4x4096xf32, #tpu.memory_space<hbm>>) target_semaphore(%arg16 : memref<!tpu.dma_semaphore, #tpu.memory_space<semaphore_mem>>)
      %lt3A_102 = arith.constant 3 : i32
      %lt3A_103 = arith.cmpi slt, %add3A_79, %lt3A_102 : i32
      %convert_element_type3A_104 = arith.extui %lt3A_103 : i1 to i32
      %cond3A_105 = arith.constant 0 : i32
      %cond3A_106 = arith.cmpi ne, %convert_element_type3A_104, %cond3A_105 : i32
      scf.if %cond3A_106 {
        %add3A_133 = arith.constant 2 : i32
        %add3A_134 = arith.addi %mul3A_81, %add3A_133 : i32
        %mul3A_135 = arith.constant 4 : i32
        %mul3A_136 = arith.muli %add3A_134, %mul3A_135 : i32
        %add3A_137 = arith.addi %mul3A_37, %mul3A_136 : i32
        %dma_start3A_138 = tpu.memref_slice %arg2[%add3A_137, %multiple_of3A] : memref<128x32768xf32, #tpu.memory_space<hbm>> -> memref<4x4096xf32, #tpu.memory_space<hbm>>
        %dma_start3A_139 = tpu.memref_slice %arg2[%add3A_137, %multiple_of3A] : memref<128x32768xf32, #tpu.memory_space<hbm>> -> memref<4x4096xf32, #tpu.memory_space<hbm>>
        tpu.enqueue_dma source(%dma_start3A_139 : memref<4x4096xf32, #tpu.memory_space<hbm>>) target(%arg6 : memref<4x4096xf32, #tpu.memory_space<vmem>>) target_semaphore(%arg14 : memref<!tpu.dma_semaphore, #tpu.memory_space<semaphore_mem>>)
      } else {
      }
      %mul3A_107 = arith.constant 4 : i32
      %mul3A_108 = arith.muli %add3A_83, %mul3A_107 : i32
      %add3A_109 = arith.addi %mul3A_37, %mul3A_108 : i32
      %dma_wait3A_110 = tpu.memref_slice %arg2[%add3A_109, %multiple_of3A] : memref<128x32768xf32, #tpu.memory_space<hbm>> -> memref<4x4096xf32, #tpu.memory_space<hbm>>
      %dma_wait3A_111 = tpu.memref_slice %arg2[%add3A_109, %multiple_of3A] : memref<128x32768xf32, #tpu.memory_space<hbm>> -> memref<4x4096xf32, #tpu.memory_space<hbm>>
      tpu.wait_dma2 semaphore(%arg15 : memref<!tpu.dma_semaphore, #tpu.memory_space<semaphore_mem>>) src(%dma_wait3A_111 : memref<4x4096xf32, #tpu.memory_space<hbm>>) dst(%arg7 : memref<4x4096xf32, #tpu.memory_space<vmem>>)
      %gt3A_112 = arith.constant 0 : i32
      %gt3A_113 = arith.cmpi sgt, %add3A_79, %gt3A_112 : i32
      %convert_element_type3A_114 = arith.extui %gt3A_113 : i1 to i32
      %cond3A_115 = arith.constant 0 : i32
      %cond3A_116 = arith.cmpi ne, %convert_element_type3A_114, %cond3A_115 : i32
      scf.if %cond3A_116 {
        %sub3A_133 = arith.constant 2 : i32
        %sub3A_134 = arith.subi %add3A_83, %sub3A_133 : i32
        %mul3A_135 = arith.constant 4 : i32
        %mul3A_136 = arith.muli %sub3A_134, %mul3A_135 : i32
        %add3A_137 = arith.addi %mul3A_37, %mul3A_136 : i32
        %dma_wait3A_138 = arith.constant 0 : i32
        %dma_wait3A_139 = tpu.memref_slice %arg5[%add3A_137, %dma_wait3A_138, %multiple_of3A] : memref<128x1x32768xf32, #tpu.memory_space<hbm>> -> memref<4x1x4096xf32, #tpu.memory_space<hbm>>
        %dma_wait3A_140 = tpu.memref_squeeze %dma_wait3A_139 : memref<4x1x4096xf32, #tpu.memory_space<hbm>> -> memref<4x4096xf32, #tpu.memory_space<hbm>>
        %dma_wait3A_141 = tpu.memref_slice %arg5[%add3A_137, %dma_wait3A_138, %multiple_of3A] : memref<128x1x32768xf32, #tpu.memory_space<hbm>> -> memref<4x1x4096xf32, #tpu.memory_space<hbm>>
        %dma_wait3A_142 = tpu.memref_squeeze %dma_wait3A_141 : memref<4x1x4096xf32, #tpu.memory_space<hbm>> -> memref<4x4096xf32, #tpu.memory_space<hbm>>
        tpu.wait_dma2 semaphore(%arg17 : memref<!tpu.dma_semaphore, #tpu.memory_space<semaphore_mem>>) src(%arg9 : memref<4x4096xf32, #tpu.memory_space<vmem>>) dst(%dma_wait3A_142 : memref<4x4096xf32, #tpu.memory_space<hbm>>)
      } else {
      }
      %parallel_loop3A_117 = arith.constant 0 : i32
      %parallel_loop3A_118 = arith.constant 4096 : i32
      %parallel_loop3A_119 = arith.constant 16 : i32
      scf.for %parallel_loop3A_133 = %parallel_loop3A_117 to %parallel_loop3A_118 step %parallel_loop3A_119  : i32 {
        %parallel_loop3A_134 = arith.index_cast %parallel_loop3A_133 : i32 to index
        %parallel_loop3A_135 = tpu.vector_load %arg12[%parallel_loop3A_134] {strides = array<i32>} : memref<4096xf32, #tpu.memory_space<vmem>>, vector<16xf32>,
        %parallel_loop3A_136 = arith.index_cast %parallel_loop3A_133 : i32 to index
        %parallel_loop3A_137 = tpu.vector_load %arg13[%parallel_loop3A_136] {strides = array<i32>} : memref<4096xf32, #tpu.memory_space<vmem>>, vector<16xf32>,
        %parallel_loop3A_138 = vector.broadcast %parallel_loop3A_133 : i32 to vector<16xi32>
        %parallel_loop3A_139 = arith.addi %parallel_loop3A_138, %xor3A_45 : vector<16xi32>
        %parallel_loop3A_140 = arith.constant 0 : i32
        %parallel_loop3A_141 = vector.broadcast %parallel_loop3A_140 : i32 to vector<16xi32>
        %parallel_loop3A_142 = arith.constant 0 : i32
        %parallel_loop3A_143 = arith.index_cast %parallel_loop3A_142 : i32 to index
        %parallel_loop3A_144 = arith.index_cast %parallel_loop3A_133 : i32 to index
        %parallel_loop3A_145 = tpu.vector_load %arg7[%parallel_loop3A_143, %parallel_loop3A_144] {strides = array<i32>} : memref<4x4096xf32, #tpu.memory_space<vmem>>, vector<16xf32>,
        %parallel_loop3A_146 = arith.mulf %parallel_loop3A_145, %parallel_loop3A_135 : vector<16xf32>
        %parallel_loop3A_147 = arith.addf %parallel_loop3A_146, %parallel_loop3A_137 : vector<16xf32>
        tpu.vector_store_idx %arg9[%parallel_loop3A_141, %parallel_loop3A_139], %parallel_loop3A_147 : memref<4x4096xf32, #tpu.memory_space<vmem>>[vector<16xi32>, vector<16xi32>], vector<16xf32>,
        %parallel_loop3A_148 = arith.constant 1 : i32
        %parallel_loop3A_149 = vector.broadcast %parallel_loop3A_148 : i32 to vector<16xi32>
        %parallel_loop3A_150 = arith.constant 1 : i32
        %parallel_loop3A_151 = arith.index_cast %parallel_loop3A_150 : i32 to index
        %parallel_loop3A_152 = arith.index_cast %parallel_loop3A_133 : i32 to index
        %parallel_loop3A_153 = tpu.vector_load %arg7[%parallel_loop3A_151, %parallel_loop3A_152] {strides = array<i32>} : memref<4x4096xf32, #tpu.memory_space<vmem>>, vector<16xf32>,
        %parallel_loop3A_154 = arith.mulf %parallel_loop3A_153, %parallel_loop3A_135 : vector<16xf32>
        %parallel_loop3A_155 = arith.addf %parallel_loop3A_154, %parallel_loop3A_137 : vector<16xf32>
        tpu.vector_store_idx %arg9[%parallel_loop3A_149, %parallel_loop3A_139], %parallel_loop3A_155 : memref<4x4096xf32, #tpu.memory_space<vmem>>[vector<16xi32>, vector<16xi32>], vector<16xf32>,
        %parallel_loop3A_156 = arith.constant 2 : i32
        %parallel_loop3A_157 = vector.broadcast %parallel_loop3A_156 : i32 to vector<16xi32>
        %parallel_loop3A_158 = arith.constant 2 : i32
        %parallel_loop3A_159 = arith.index_cast %parallel_loop3A_158 : i32 to index
        %parallel_loop3A_160 = arith.index_cast %parallel_loop3A_133 : i32 to index
        %parallel_loop3A_161 = tpu.vector_load %arg7[%parallel_loop3A_159, %parallel_loop3A_160] {strides = array<i32>} : memref<4x4096xf32, #tpu.memory_space<vmem>>, vector<16xf32>,
        %parallel_loop3A_162 = arith.mulf %parallel_loop3A_161, %parallel_loop3A_135 : vector<16xf32>
        %parallel_loop3A_163 = arith.addf %parallel_loop3A_162, %parallel_loop3A_137 : vector<16xf32>
        tpu.vector_store_idx %arg9[%parallel_loop3A_157, %parallel_loop3A_139], %parallel_loop3A_163 : memref<4x4096xf32, #tpu.memory_space<vmem>>[vector<16xi32>, vector<16xi32>], vector<16xf32>,
        %parallel_loop3A_164 = arith.constant 3 : i32
        %parallel_loop3A_165 = vector.broadcast %parallel_loop3A_164 : i32 to vector<16xi32>
        %parallel_loop3A_166 = arith.constant 3 : i32
        %parallel_loop3A_167 = arith.index_cast %parallel_loop3A_166 : i32 to index
        %parallel_loop3A_168 = arith.index_cast %parallel_loop3A_133 : i32 to index
        %parallel_loop3A_169 = tpu.vector_load %arg7[%parallel_loop3A_167, %parallel_loop3A_168] {strides = array<i32>} : memref<4x4096xf32, #tpu.memory_space<vmem>>, vector<16xf32>,
        %parallel_loop3A_170 = arith.mulf %parallel_loop3A_169, %parallel_loop3A_135 : vector<16xf32>
        %parallel_loop3A_171 = arith.addf %parallel_loop3A_170, %parallel_loop3A_137 : vector<16xf32>
        tpu.vector_store_idx %arg9[%parallel_loop3A_165, %parallel_loop3A_139], %parallel_loop3A_171 : memref<4x4096xf32, #tpu.memory_space<vmem>>[vector<16xi32>, vector<16xi32>], vector<16xf32>,
      } {sc.loop_unroll_factor = 4 : i64, sc.parallel_access}
      %mul3A_120 = arith.constant 4 : i32
      %mul3A_121 = arith.muli %add3A_83, %mul3A_120 : i32
      %add3A_122 = arith.addi %mul3A_37, %mul3A_121 : i32
      %dma_start3A_123 = arith.constant 0 : i32
      %dma_start3A_124 = tpu.memref_slice %arg5[%add3A_122, %dma_start3A_123, %multiple_of3A] : memref<128x1x32768xf32, #tpu.memory_space<hbm>> -> memref<4x1x4096xf32, #tpu.memory_space<hbm>>
      %dma_start3A_125 = tpu.memref_squeeze %dma_start3A_124 : memref<4x1x4096xf32, #tpu.memory_space<hbm>> -> memref<4x4096xf32, #tpu.memory_space<hbm>>
      %dma_start3A_126 = tpu.memref_slice %arg5[%add3A_122, %dma_start3A_123, %multiple_of3A] : memref<128x1x32768xf32, #tpu.memory_space<hbm>> -> memref<4x1x4096xf32, #tpu.memory_space<hbm>>
      %dma_start3A_127 = tpu.memref_squeeze %dma_start3A_126 : memref<4x1x4096xf32, #tpu.memory_space<hbm>> -> memref<4x4096xf32, #tpu.memory_space<hbm>>
      tpu.enqueue_dma source(%arg9 : memref<4x4096xf32, #tpu.memory_space<vmem>>) target(%dma_start3A_127 : memref<4x4096xf32, #tpu.memory_space<hbm>>) target_semaphore(%arg17 : memref<!tpu.dma_semaphore, #tpu.memory_space<semaphore_mem>>)
      %lt3A_128 = arith.constant 3 : i32
      %lt3A_129 = arith.cmpi slt, %add3A_79, %lt3A_128 : i32
      %convert_element_type3A_130 = arith.extui %lt3A_129 : i1 to i32
      %cond3A_131 = arith.constant 0 : i32
      %cond3A_132 = arith.cmpi ne, %convert_element_type3A_130, %cond3A_131 : i32
      scf.if %cond3A_132 {
        %add3A_133 = arith.constant 2 : i32
        %add3A_134 = arith.addi %add3A_83, %add3A_133 : i32
        %mul3A_135 = arith.constant 4 : i32
        %mul3A_136 = arith.muli %add3A_134, %mul3A_135 : i32
        %add3A_137 = arith.addi %mul3A_37, %mul3A_136 : i32
        %dma_start3A_138 = tpu.memref_slice %arg2[%add3A_137, %multiple_of3A] : memref<128x32768xf32, #tpu.memory_space<hbm>> -> memref<4x4096xf32, #tpu.memory_space<hbm>>
        %dma_start3A_139 = tpu.memref_slice %arg2[%add3A_137, %multiple_of3A] : memref<128x32768xf32, #tpu.memory_space<hbm>> -> memref<4x4096xf32, #tpu.memory_space<hbm>>
        tpu.enqueue_dma source(%dma_start3A_139 : memref<4x4096xf32, #tpu.memory_space<hbm>>) target(%arg7 : memref<4x4096xf32, #tpu.memory_space<vmem>>) target_semaphore(%arg15 : memref<!tpu.dma_semaphore, #tpu.memory_space<semaphore_mem>>)
      } else {
      }
    }
    %scan3A_61 = arith.constant 4 : i32
    %add3A_62 = arith.constant 24 : i32
    %add3A_63 = arith.addi %mul3A_37, %add3A_62 : i32
    %dma_wait3A = arith.constant 0 : i32
    %dma_wait3A_64 = tpu.memref_slice %arg5[%add3A_63, %dma_wait3A, %multiple_of3A] : memref<128x1x32768xf32, #tpu.memory_space<hbm>> -> memref<4x1x4096xf32, #tpu.memory_space<hbm>>
    %dma_wait3A_65 = tpu.memref_squeeze %dma_wait3A_64 : memref<4x1x4096xf32, #tpu.memory_space<hbm>> -> memref<4x4096xf32, #tpu.memory_space<hbm>>
    %dma_wait3A_66 = tpu.memref_slice %arg5[%add3A_63, %dma_wait3A, %multiple_of3A] : memref<128x1x32768xf32, #tpu.memory_space<hbm>> -> memref<4x1x4096xf32, #tpu.memory_space<hbm>>
    %dma_wait3A_67 = tpu.memref_squeeze %dma_wait3A_66 : memref<4x1x4096xf32, #tpu.memory_space<hbm>> -> memref<4x4096xf32, #tpu.memory_space<hbm>>
    tpu.wait_dma2 semaphore(%arg16 : memref<!tpu.dma_semaphore, #tpu.memory_space<semaphore_mem>>) src(%arg8 : memref<4x4096xf32, #tpu.memory_space<vmem>>) dst(%dma_wait3A_67 : memref<4x4096xf32, #tpu.memory_space<hbm>>)
    %add3A_68 = arith.constant 28 : i32
    %add3A_69 = arith.addi %mul3A_37, %add3A_68 : i32
    %dma_wait3A_70 = arith.constant 0 : i32
    %dma_wait3A_71 = tpu.memref_slice %arg5[%add3A_69, %dma_wait3A_70, %multiple_of3A] : memref<128x1x32768xf32, #tpu.memory_space<hbm>> -> memref<4x1x4096xf32, #tpu.memory_space<hbm>>
    %dma_wait3A_72 = tpu.memref_squeeze %dma_wait3A_71 : memref<4x1x4096xf32, #tpu.memory_space<hbm>> -> memref<4x4096xf32, #tpu.memory_space<hbm>>
    %dma_wait3A_73 = tpu.memref_slice %arg5[%add3A_69, %dma_wait3A_70, %multiple_of3A] : memref<128x1x32768xf32, #tpu.memory_space<hbm>> -> memref<4x1x4096xf32, #tpu.memory_space<hbm>>
    %dma_wait3A_74 = tpu.memref_squeeze %dma_wait3A_73 : memref<4x1x4096xf32, #tpu.memory_space<hbm>> -> memref<4x4096xf32, #tpu.memory_space<hbm>>
    tpu.wait_dma2 semaphore(%arg17 : memref<!tpu.dma_semaphore, #tpu.memory_space<semaphore_mem>>) src(%arg9 : memref<4x4096xf32, #tpu.memory_space<vmem>>) dst(%dma_wait3A_74 : memref<4x4096xf32, #tpu.memory_space<hbm>>)
    return
  }
}

</mosaic_0001>

<sc_bundles>
// kernel: kernel.3.cloned.1.call-start
scs
__scs_entry_jumppad:
0x0: {  	(pc) =	sbr.rel $0x88, $3  }
0x1: {  	(tag) =	ssettag $0x0;
	lr =	simm.s32 $0x1  }
0x2: {  	[smem:$0x3F9E] =	sst lr;
	_ =	strace $0xD0000000  }
0x3: {  	_ = 	snop  }
0x4: {  	_ = 	snop  }
0x5: {  	_ = 	snop  }
0x6: {  	_ = 	snop  }
0x7: {  	_ = 	snop  }
__scs_overlays_trampoline_lowered:
0x8: {  	[smem:$0x3FAD] =	sst s0  }
0x9: {  	[smem:$0x3FAE] =	sst s1  }
0xa: {  	[smem:$0x3FAF] =	sst s2  }
0xb: {  	[smem:$0x3FB0] =	sst s3  }
0xc: {  	[smem:$0x3FB1] =	sst s4  }
0xd: {  	[smem:$0x3FB2] =	sst s5  }
0xe: {  	[smem:$0x3FB3] =	sst s6  }
0xf: {  	[smem:$0x3FB4] =	sst s7  }
0x10: {  	[smem:$0x3FB5] =	sst s8  }
0x11: {  	[smem:$0x3FB6] =	sst s9;
	s0 =	simm.s32 @!p0 $0x0  }
0x12: {  	s1 =	sld [smem:$0x3F9C];
	s0 =	simm.s32 @p0 $0x1  }
0x13: {  	[smem:$0x3FB7] =	sst s0;
	s0 =	simm.s32 @!p1 $0x0  }
0x14: {  	s2 =	sld [smem:$0x3F9B];
	s0 =	simm.s32 @p1 $0x1  }
0x15: {  	[smem:$0x3FB8] =	sst s0;
	s0 =	simm.s32 @!p2 $0x0  }
0x16: {  	s3 =	sld [smem:$0x3FDB];
	s0 =	simm.s32 @p2 $0x1  }
0x17: {  	s4 =	simm.s32 $0x1BF5;
	[smem:$0x3FBA] =	sst s0  }
0x18: {  	s0 =	sld [smem:$0x3F9D];
	_ =	swait.ge [sflag:s4], $0x0  }
0x19: {  	s7 =	sld [smem:$0x3F9E]  }
0x1a: {  	s8 =	sadd.s32 $0xFFFFE003, lr  }
0x1b: {  	s9 =	sadd.s32 $0xFFFFFEF7, lr;
	s5 =	simm.s32 $0xFFFFFFFF;
	p2 =	slt.u32 s8, $0xFFFFF086  }
0x1c: {  	p1 =	slt.u32 s9, $0xF7A;
	s5 =	simm.s32 @!p2 $0x0  }
0x1d: {  	s5 =	simm.s32 @p1 $0x1;
	p0 =	seq.s32 s7, s2  }
0x1e: {  	s7 =	smul.u32 @!p0 $0xF7A, s2;
	p2 =	seq.s32 @!p0 s5, $0x0  }
0x1f: {  	s9 =	smul.u32 $0xF7A, s1;
	s8 =	simm.s32 @!p0 $0x1BF5;
	p2 =	por !p2, p0  }
0x20: {  	[sflag:s8] =	ssyncset.s32 @!p0 $0xFFFFF086;
	s6 =	sadd.s32 @!p0 s3, s7;
	s7 =	simm.s32 @!p0 $0x108  }
0x21: {  	s3 =	sadd.s32 s3, s9;
	s6 =	sadd.s32 @!p0 $0x88, s6;
	s7 =	simm.s32 @p2 $0x1082  }
0x22: {  	[simem:s7], [sflag:s8] =	dma.local @!p0 [hbm:s6], $0xF7A  }
0x23: {  	s9 =	sor.u32 $0xD0000000, s2;
	s6 =	simm.s32 $0x108;
	_ =	swait.ge @!p0 [sflag:s8], $0x0  }
0x24: {  	s3 =	sadd.s32 $0x88, s3;
	s6 =	simm.s32 @!p1 $0x1082;
	[sflag:s4] =	ssyncset.s32 $0xFFFFF086  }
0x25: {  	[simem:s6], [sflag:s4] =	dma.local [hbm:s3], $0xF7A  }
0x26: {  	[smem:$0x3F9E] =	sst s1;
	(tag) =	ssettag s2;
	_ =	strace s9  }
0x27: {  	s1 =	sld [smem:$0x3FAE]  }
0x28: {  	s2 =	sld [smem:$0x3FAF]  }
0x29: {  	s4 =	sld [smem:$0x3FB1]  }
0x2a: {  	p0 =	seq.s32 s5, $0x0;
	s5 =	sld [smem:$0x3FB2]  }
0x2b: {  	s6 =	sld [smem:$0x3FB3]  }
0x2c: {  	s7 =	sld [smem:$0x3FB4]  }
0x2d: {  	s3 =	simm.s32 $0x108;
	s8 =	sld [smem:$0x3FB5]  }
0x2e: {  	s3 =	simm.s32 @!p0 $0x1082;
	s9 =	sld [smem:$0x3FB6]  }
0x2f: {  	lr =	sadd.s32 s0, s3;
	s0 =	sld [smem:$0x3FAD]  }
0x30: {  	s3 =	sld [smem:$0x3FB0]  }
0x31: {  	[smem:$0x3FB9] =	sst s10  }
0x32: {  	s10 =	sld [smem:$0x3FB7];
	_ =	sdelay $0x3  }
0x33: {  	p0 =	seq.s32 s10, $0x1;
	s10 =	sld [smem:$0x3FB9];
	_ =	sdelay $0x3  }
0x34: {  	[smem:$0x3FB9] =	sst s10  }
0x35: {  	s10 =	sld [smem:$0x3FB8];
	_ =	sdelay $0x3  }
0x36: {  	p1 =	seq.s32 s10, $0x1;
	s10 =	sld [smem:$0x3FB9];
	_ =	sdelay $0x3  }
0x37: {  	[smem:$0x3FB9] =	sst s10  }
0x38: {  	s10 =	sld [smem:$0x3FBA]  }
0x39: {  	_ = 	snop;
	(pc) =	sbr.ind lr, $3  }
0x3a: {  	_ = 	snop  }
0x3b: {  	_ = 	snop  }
0x3c: {  	p2 =	seq.s32 s10, $0x1;
	s10 =	sld [smem:$0x3FB9]  }
0x3d: {  	_ =	shalt  }
0x3e: {  	_ =	shalt  }
0x3f: {  	_ =	shalt  }
0x40: {  	_ =	shalt  }
0x41: {  	_ =	shalt  }
0x42: {  	_ =	shalt  }
0x43: {  	_ =	shalt  }
0x44: {  	_ =	shalt  }
0x45: {  	_ =	shalt  }
0x46: {  	_ =	shalt  }
0x47: {  	_ =	shalt  }
0x48: {  	_ =	shalt  }
0x49: {  	_ =	shalt  }
0x4a: {  	_ =	shalt  }
0x4b: {  	_ =	shalt  }
0x4c: {  	_ =	shalt  }
0x4d: {  	_ =	shalt  }
0x4e: {  	_ =	shalt  }
0x4f: {  	_ =	shalt  }
0x50: {  	_ =	shalt  }
0x51: {  	_ =	shalt  }
0x52: {  	_ =	shalt  }
0x53: {  	_ =	shalt  }
0x54: {  	_ =	shalt  }
0x55: {  	_ =	shalt  }
0x56: {  	_ =	shalt  }
0x57: {  	_ =	shalt  }
0x58: {  	_ =	shalt  }
0x59: {  	_ =	shalt  }
0x5a: {  	_ =	shalt  }
0x5b: {  	_ =	shalt  }
0x5c: {  	_ =	shalt  }
0x5d: {  	_ =	shalt  }
0x5e: {  	_ =	shalt  }
0x5f: {  	_ =	shalt  }
0x60: {  	_ =	shalt  }
0x61: {  	_ =	shalt  }
0x62: {  	_ =	shalt  }
0x63: {  	_ =	shalt  }
0x64: {  	_ =	shalt  }
0x65: {  	_ =	shalt  }
0x66: {  	_ =	shalt  }
0x67: {  	_ =	shalt  }
0x68: {  	_ =	shalt  }
0x69: {  	_ =	shalt  }
0x6a: {  	_ =	shalt  }
0x6b: {  	_ =	shalt  }
0x6c: {  	_ =	shalt  }
0x6d: {  	_ =	shalt  }
0x6e: {  	_ =	shalt  }
0x6f: {  	_ =	shalt  }
0x70: {  	_ =	shalt  }
0x71: {  	_ =	shalt  }
0x72: {  	_ =	shalt  }
0x73: {  	_ =	shalt  }
0x74: {  	_ =	shalt  }
0x75: {  	_ =	shalt  }
0x76: {  	_ =	shalt  }
0x77: {  	_ =	shalt  }
0x78: {  	_ =	shalt  }
0x79: {  	_ =	shalt  }
0x7a: {  	_ =	shalt  }
0x7b: {  	_ =	shalt  }
0x7c: {  	_ =	shalt  }
0x7d: {  	_ =	shalt  }
0x7e: {  	_ =	shalt  }
0x7f: {  	_ =	shalt  }
0x80: {  	_ =	shalt  }
0x81: {  	_ =	shalt  }
0x82: {  	_ =	shalt  }
0x83: {  	_ =	shalt  }
0x84: {  	_ =	shalt  }
0x85: {  	_ =	shalt  }
0x86: {  	_ =	shalt  }
0x87: {  	_ =	shalt  }
.Lfunc_end0:
.L_simem_size_0:
called_computation_lowered:
.L_overlay_start_0:
0x88: {  	s2 =	sld [smem:$0x3FD9]  }
0x89: {  	s3 =	sld [smem:$0x3FFE];
	_ =	sdelay $0x1  }
0x8a: {  	s1 =	srdreg.scid  }
0x8b: {  	s0 =	sand.u32 $0x1, s1  }
0x8c: {  	s18 =	sshll.u32 s0, $0xA;
	s2 =	sadd.s32 s3, s2  }
0x8d: {  	s2 =	sadd.s32 s2, s18  }
0x8e: {  	[smem:$0x3FC5] =	sst s2  }
0x8f: {  	_ = 	snop  }
0x90: {  	s2 =	sld [smem:$0x3FC9]  }
0x91: {  	s19 =	sld [smem:$0x3FC8]  }
0x92: {  	s4 =	sld [smem:$0x3FC7]  }
0x93: {  	s5 =	sld [smem:$0x3FD0];
	(tm) =	ssettm $0x1  }
0x94: {  	s6 =	sld [smem:$0x3FFB];
	_ =	sdelay $0x3  }
0x95: {  	_ =	strace s6  }
0x96: {  	s6 =	sld [smem:$0x3FFC];
	_ =	sdelay $0x3  }
0x97: {  	_ =	strace s6  }
0x98: {  	s6 =	sld [smem:$0x3FFD];
	_ =	sdelay $0x3  }
0x99: {  	_ =	strace s6  }
0x9a: {  	_ =	strace $0x8FFFFFFF  }
0x9b: {  	s20 =	sld [smem:$0x3FDB];
	_ =	sdelay $0x1  }
0x9c: {  	s7 =	simm.s32 $_scs_section_size  }
0x9d: {  	s8 =	simm.s32 $_size__tile_overlayer_lowered;
	s9 =	simm.s32 $_tile_overlayer_lowered  }
0x9e: {  	s23 =	simm.s32 $0x1BFF;
	s22 =	sshll.u32 s9, $0x1;
	s6 =	sadd.s32 s7, s20  }
0x9f: {  	s10 =	simm.s32 $0x0;
	s21 =	sshll.u32 s8, $0x1;
	s8 =	sadd.s32 s22, s6  }
0xa0: {  	[timem:s10], [sflag:s23] =	dma.local [hbm:s8], s21  }
0xa1: {  	_ =	swait.ge [sflag:s23], s21  }
0xa2: {  	s7 =	ssub.s32 $0x0, s21;
	[sflag:s23] =	ssyncset.done $0x0  }
0xa3: {  	[sflag:s23] =	ssyncadd.s32 s7;
	_ =	sdelay $0x1  }
0xa4: {  	s24 =	simm.s32 $0x1B8B  }
0xa5: {  	_ =	swait.ge [sflag:s24], $0x1  }
0xa6: {  	[sflag:s24] =	ssyncset.done $0x0  }
0xa7: {  	s25 =	simm.s32 $0x1B8E;
	[sflag:s24] =	ssyncadd.s32 $0xFFFFFFFF  }
0xa8: {  	s26 =	simm.s32 $execute0_lowered;
	[smem:$0x3FD2] =	sst s25  }
0xa9: {  	s7 =	sshll.u32 s26, $0x1;
	_ =	strace $0x80000046;
	[dreg:$0x1] =	wrdreg $0xFFFFFFFF  }
0xaa: {  	s28 =	simm.s32 $_size_execute0_lowered;
	s6 =	sadd.s32 s6, s7;
	[dreg:$0x0] =	wrdreg $0x0  }
0xab: {  	s7 =	sshll.u32 s28, $0x1;
	[dreg:$0x2] =	wrdreg s6  }
0xac: {  	[dreg:$0x3] =	wrdreg s7  }
0xad: {  	[dreg:$0x4] =	wrdreg $0xC0  }
0xae: {  	_ =	task [dreg:s10], $0x5FFFF  }
0xaf: {  	[dreg:$0x1] =	wrdreg $0xFFFFFFFF  }
0xb0: {  	[dreg:$0x0] =	wrdreg $0x60  }
0xb1: {  	[dreg:$0x2] =	wrdreg s2  }
0xb2: {  	[dreg:$0x3] =	wrdreg s19  }
0xb3: {  	[dreg:$0x4] =	wrdreg s4  }
0xb4: {  	[dreg:$0x5] =	wrdreg s5  }
0xb5: {  	[dreg:$0x6] =	wrdreg $0x9  }
0xb6: {  	_ =	task.clear_ibuf [dreg:s10], $0x7FFFF;
	_ =	strace $0x90000046  }
0xb7: {  	s29 =	simm.s32 $0x9;
	_ =	strace $0x80000048  }
0xb8: {  	_ =	swait.ge [sflag:s29], $0x1  }
0xb9: {  	[sflag:s29] =	ssyncadd.s32 $0xFFFFFFFF  }
0xba: {  	_ =	strace $0x90000048  }
0xbb: {  	_ =	sfence  }
0xbc: {  	s30 =	sld [smem:$0x0];
	_ =	sdelay $0x2  }
0xbd: {  	s31 =	sshll.u32 s1, $0xD;
	s1 =	sshrl.u32 s1, $0x2  }
0xbe: {  	s3 =	sand.u32 $0x4000, s31;
	s1 =	sadd.s32 s1, s30  }
0xbf: {  	s0 =	sor.u32 s3, s0;
	s1 =	sshll.u32 s1, $0x11  }
0xc0: {  	s0 =	sor.u32 s1, s0  }
0xc1: {  	s0 =	sadd.s32 $0x8F2B, s0  }
0xc2: {  	[sflag:s0] =	ssyncadd.remote.s32 $0x1  }
0xc3: {  	_ =	sfence.sel $0xFFFF  }
0xc4: {  	[dreg:$0x0] =	wrdreg $0xFFFFFFFF;
	(pc) =	sbr.abs _section_cstart, $3  }
0xc5: {  	[dreg:$0x1] =	wrdreg $0xFFFFFFFF  }
0xc6: {  	_ =	task.clear_ibuf [dreg:s10], $0x2FFFF;
	_ =	strace $0x9FFFFFFF  }
0xc7: {  	(tm) =	ssettm $0x7FFFFFFF  }
tec
execute0_lowered:
.L_overlay_start_1:
0x0: {  	(tag) =	ssettag $0x1  }
0x1: {  	s7 =	rddreg [dreg:$0x0]  }
0x2: {  	s0 =	rddreg [dreg:$0x1]  }
0x3: {  	s1 =	rddreg [dreg:$0x2]  }
0x4: {  	s4 =	stileid.u32;
	s2 =	srdreg.scid  }
0x5: {  	s5 =	simm.s32 $0x0;
	s3 =	sshll.u32 s4, $0x1;
	s2 =	sand.u32 $0x1, s2  }
0x6: {  	[smem:$0x7FF] =	sst s5;
	s22 =	sshrl.u32 s4, $0x2;
	s3 =	sand.u32 $0x6, s3  }
0x7: {  	s24 =	sshll.u32 s22, $0x14;
	_ =	strace $0x80000047;
	s25 =	sshll.u32 s22, $0x5  }
0x8: {  	s8 =	sor.u32 s2, s3;
	s2 =	ssub.s32 $0x2, s2;
	[dreg:$0x6] =	wrdreg s25  }
0x9: {  	s30 =	sor.u32 $0x8, s25;
	s23 =	sshll.u32 s8, $0xF;
	[dreg:$0x5] =	wrdreg s8  }
0xa: {  	v0 =	vimm.s32 $0xEFCDAB89;
	v1 =	vimm.s32 $0x67452301;
	s28 =	sshll.u32 s8, $0x8;
	s29 =	sshll.u32 s8, $0xC;
	[dreg:$0xe] =	wrdreg s30  }
0xb: {  	v0 =	vunpack.c.l.s4.s8 v0;
	v1 =	vunpack.c.l.s4.s8 v1;
	s6 =	sshrl.u32 s2, $0x1;
	s0 =	sadd.s32 s0, s28;
	[dreg:$0xb] =	wrdreg s29  }
0xc: {  	v2 =	vlaneseq.u32;
	s4 =	sor.u32 s24, s23;
	s1 =	sadd.s32 s1, s28;
	[dreg:$0xa] =	wrdreg s0  }
0xd: {  	v3 =	vunpack.c.0.s8.s32 v0;
	v4 =	vunpack.c.0.s8.s32 v1;
	v1 =	vmul.u32 $0x2, v2;
	s2 =	ssub.s32 s2, s6;
	[dreg:$0xc] =	wrdreg s1;
	s0 =	sor.u32 s29, s24  }
0xe: {  	v5 =	vimm.s32 $0x0;
	s26 =	sshrl.u32 s4, $0x3;
	s31 =	smax.u32 s2, $0x1;
	[dreg:$0xd] =	wrdreg s0  }
.Ltmp0:
0xf: {  	vm0 =	vcmask $0x300;
	v7 =	vcombine.low v4, v3;
	v4 =	vor.u32 $0x20, v1;
	[tilespmem:$0x1FFB0] =	vst v1;
	s4 =	sadd.s32 s7, s26;
	[dreg:$0x10] =	wrdreg s31;
	(pc) =	sbr.rel .LBB2_1-.Ltmp0, $4  }
0x10: {  	v3 =	vsel vm0, $0x7, v5;
	v5 =	vor.u32 $0x40, v1;
	[tilespmem:$0x1FFC0] =	vst v4;
	s7 =	sadd.s32 $0x40, s7;
	[dreg:$0x7] =	wrdreg s4  }
0x11: {  	v6 =	vor.u32 $0x60, v1;
	s2 =	simm.s32 $0x0;
	[tilespmem:$0x1FFD0] =	vst v5;
	s0 =	sor.u32 s8, s30;
	[dreg:$0x8] =	wrdreg s7  }
0x12: {  	[tilespmem:$0x1FFE0] =	vst v6;
	s8 =	simm.s32 $0x12000;
	s3 =	sadd.s32 s26, s7;
	[dreg:$0xf] =	wrdreg s0  }
0x13: {  	v0 =	vimm.f32 $0.0e+00;
	v2 =	vimm.f32 $NaN;
	[tilespmem:$0x1FFF0] =	vst v3;
	v7 =	vand.u32 $0xF, v7;
	s7 =	simm.s32 $0x11000;
	s26 =	simm.s32 $0x8000;
	[dreg:$0x9] =	wrdreg s3  }
.LBB2_16:
0x14: {  	s0 =	simm.s32 $0x3  }
0x15: {  	_ =	swait.ge [sflag:s0], $0x4000  }
0x16: {  	[sflag:s0] =	ssyncset.done $0x0  }
0x17: {  	s1 =	simm.s32 $0x4;
	[sflag:s0] =	ssyncadd.s32 $0xFFFFC000  }
0x18: {  	_ =	swait.ge [sflag:s1], $0x4000  }
0x19: {  	s2 =	rddreg [dreg:$0x11]  }
0x1a: {  	s31 =	rddreg [dreg:$0x10];
	s2 =	sadd.s32 $0x1, s2  }
0x1b: {  	p0 =	sne.s32 s2, s31  }
.Ltmp1:
0x1c: {  	_ = 	snop;
	(pc) =	sbr.rel @!p0 .LBB2_17-.Ltmp1, $3  }
0x1d: {  	_ =	sdelay $0x1  }
0x1e: {  	[sflag:s1] =	ssyncset.done $0x0  }
0x1f: {  	v0 =	vimm.f32 $0.0e+00;
	v2 =	vimm.f32 $NaN;
	[sflag:s1] =	ssyncadd.s32 $0xFFFFC000  }
.LBB2_1:
0x20: {  	[dreg:$0x11] =	wrdreg s2;
	s0 =	simm.s32 $0x0  }
0x21: {  	s1 =	rddreg [dreg:$0x7];
	s22 =	simm.s32 $0x200;
	s3 =	simm.s32 $0x400  }
0x22: {  	[tilespmem:s0], [sflag:$0x1] =	stream.strided.gather [hbm4b:s1+s22], $0x4000, s3, s22, $0x38;
	[tilespmem:$0x13000] =	vst v63  }
0x23: {  	s23 =	rddreg [dreg:$0x9];
	s4 =	simm.s32 $0x4000  }
0x24: {  	[tilespmem:s4], [sflag:$0x2] =	stream.strided.gather [hbm4b:s23+s22], $0x4000, s3, s22, $0x38;
	[tilespmem:$0x13000] =	vst v63  }
0x25: {  	s24 =	rddreg [dreg:$0xa];
	s25 =	simm.s32 $0x10000;
	s28 =	simm.s32 $0x5  }
0x26: {  	[tilespmem:s25], [sflag:$0x5] =	stream.linear.gather [hbm4b:s24+s0], $0x800, $0x38;
	[tilespmem:$0x13000] =	vst v63  }
0x27: {  	_ =	swait.ge [sflag:s28], $0x800  }
0x28: {  	[sflag:s28] =	ssyncset.done $0x0  }
0x29: {  	s30 =	simm.s32 $0x10800;
	s29 =	rddreg [dreg:$0xc];
	[sflag:s28] =	ssyncadd.s32 $0xFFFFF800  }
0x2a: {  	[tilespmem:s30], [sflag:$0x5] =	stream.linear.gather [hbm4b:s29+s0], $0x800, $0x38;
	[tilespmem:$0x13000] =	vst v63  }
0x2b: {  	_ =	swait.ge [sflag:s28], $0x800  }
0x2c: {  	[sflag:s28] =	ssyncset.done $0x0  }
0x2d: {  	s31 =	simm.s32 $0x11020;
	[sflag:s28] =	ssyncadd.s32 $0xFFFFF800  }
0x2e: {  	[tilespmem:s31+$0xFFFFFFF0] =	vst v0  }
0x2f: {  	[tilespmem:s31+$0x0] =	vst v0  }
0x30: {  	[tilespmem:s31+$0x10] =	vst v0  }
0x31: {  	s2 =	simm.s32 $0x12020;
	[tilespmem:s31+$0xFFFFFFE0] =	vst v0  }
0x32: {  	[tilespmem:s2+$0xFFFFFFF0] =	vst v2  }
0x33: {  	[tilespmem:s2+$0x0] =	vst v2  }
0x34: {  	s1 =	simm.s32 $0x10020;
	[tilespmem:s2+$0x10] =	vst v2  }
0x35: {  	s3 =	simm.s32 $0x0;
	s4 =	simm.s32 $0x11060;
	s0 =	simm.s32 $0x10820;
	[tilespmem:s2+$0xFFFFFFE0] =	vst v2  }
.LBB2_2:
0x36: {  	[tilespmem:s4+$0xFFFFFFF0] =	vst v0;
	s2 =	sadd.s32 $0x40, s2  }
0x37: {  	s3 =	sadd.s32 $0x40, s3;
	[tilespmem:s2+$0xFFFFFFF0] =	vst v2  }
0x38: {  	p0 =	slt.u32 s3, $0xFC0;
	[tilespmem:s4+$0x0] =	vst v0  }
.Ltmp2:
0x39: {  	[tilespmem:s2+$0x0] =	vst v2;
	(pc) =	sbr.rel @p0 .LBB2_2-.Ltmp2, $4  }
0x3a: {  	[tilespmem:s4+$0x10] =	vst v0  }
0x3b: {  	[tilespmem:s2+$0x10] =	vst v2  }
0x3c: {  	[tilespmem:s4+$0xFFFFFFE0] =	vst v0  }
0x3d: {  	s13 =	simm.s32 $0x0;
	s4 =	sadd.s32 $0x40, s4;
	[tilespmem:s2+$0xFFFFFFE0] =	vst v2  }
0x3e: {  	s2 =	simm.s32 $0x60  }
0x3f: {  	v8 =	vmov s2  }
0x40: {  	s3 =	simm.s32 $0x20;
	v9 =	vmov s13;
	s21 =	simm.s32 $0x40;
	v8 =	vshrl.u32 v8, $0x7  }
0x41: {  	v10 =	vmov s3;
	v11 =	vmov s21;
	v8 =	vshll.u32 v8, v3  }
0x42: {  	v9 =	vshrl.u32 v9, $0x7;
	v10 =	vshrl.u32 v10, $0x7;
	v8 =	vbroadcast v8, $0x0  }
0x43: {  	v11 =	vshrl.u32 v11, $0x7;
	v9 =	vshll.u32 v9, v3;
	v10 =	vshll.u32 v10, v3  }
0x44: {  	v12 =	vld [tilespmem:s1+$0x10];
	s25 =	simm.s32 $0xC0;
	v11 =	vshll.u32 v11, v3;
	v10 =	vbroadcast v10, $0x0;
	v15 =	vor.u32 v6, v8  }
0x45: {  	s23 =	simm.s32 $0xE0;
	v18 =	vmov s25;
	v13 =	vbroadcast v9, $0x0;
	v11 =	vbroadcast v11, $0x0  }
0x46: {  	v17 =	vld [tilespmem:s1+$0xFFFFFFF0];
	v14 =	vmov s23;
	v18 =	vshrl.u32 v18, $0x7;
	v9 =	vor.u32 v4, v10  }
0x47: {  	s22 =	simm.s32 $0x80;
	s24 =	simm.s32 $0xA0;
	v19 =	vld [tilespmem:s1+$0x0];
	v8 =	vor.u32 v5, v11;
	v10 =	vor.u32 v1, v13;
	v13 =	vshrl.u32 v14, $0x7  }
0x48: {  	v16 =	vld [tilespmem:s1+$0xFFFFFFE0];
	v11 =	vmov s22;
	v14 =	vmov s24;
	v13 =	vshll.u32 v13, v3  }
0x49: {  	s28 =	simm.s32 $0x10060;
	v11 =	vshrl.u32 v11, $0x7;
	v14 =	vshrl.u32 v14, $0x7;
	[tilespmem:v15+s7+$0x0] =	vst.idx.msk $0xffff, v12;
	v12 =	vbroadcast v13, $0x0  }
0x4a: {  	v21 =	vld [tilespmem:s28+$0x10];
	v11 =	vshll.u32 v11, v3;
	v13 =	vshll.u32 v14, v3;
	v14 =	vshll.u32 v18, v3  }
0x4b: {  	v25 =	vld [tilespmem:s28+$0xFFFFFFE0];
	[tilespmem:v9+s7+$0x0] =	vst.idx.msk $0xffff, v17;
	v13 =	vbroadcast v13, $0x0;
	v20 =	vbroadcast v14, $0x0;
	v14 =	vor.u32 v6, v12  }
0x4c: {  	s30 =	simm.s32 $0x160;
	s31 =	simm.s32 $0x120;
	v22 =	vbroadcast v11, $0x0;
	[tilespmem:v8+s7+$0x0] =	vst.idx.msk $0xffff, v19;
	v18 =	vld [tilespmem:s0+$0x10]  }
0x4d: {  	v17 =	vld [tilespmem:s28+$0xFFFFFFF0];
	v19 =	vmov s30;
	[tilespmem:v10+s7+$0x0] =	vst.idx.msk $0xffff, v16;
	v16 =	vmov s31;
	v12 =	vor.u32 v4, v13  }
0x4e: {  	s4 =	simm.s32 $0x140;
	v23 =	vld [tilespmem:s28+$0x0];
	v24 =	vshrl.u32 v19, $0x7;
	v26 =	vshrl.u32 v16, $0x7;
	v11 =	vor.u32 v5, v20  }
0x4f: {  	s29 =	simm.s32 $0x100;
	v19 =	vld [tilespmem:s0+$0xFFFFFFF0];
	v24 =	vshll.u32 v24, v3;
	v13 =	vor.u32 v1, v22;
	v22 =	vmov s4  }
0x50: {  	s1 =	simm.s32 $0x10860;
	v16 =	vld [tilespmem:s0+$0x0];
	v20 =	vmov s29;
	v24 =	vbroadcast v24, $0x0;
	v22 =	vshrl.u32 v22, $0x7;
	[tilespmem:v14+s7+$0x0] =	vst.idx.msk $0xffff, v21  }
0x51: {  	s2 =	simm.s32 $0x100A0;
	v20 =	vshrl.u32 v20, $0x7;
	[tilespmem:v15+s8+$0x0] =	vst.idx.msk $0xffff, v18;
	v15 =	vshll.u32 v26, v3;
	v18 =	vshll.u32 v22, v3;
	v21 =	vld [tilespmem:s1+$0x10]  }
0x52: {  	v22 =	vld [tilespmem:s2+$0x10];
	v15 =	vbroadcast v15, $0x0;
	v26 =	vbroadcast v18, $0x0;
	[tilespmem:v12+s7+$0x0] =	vst.idx.msk $0xffff, v17;
	v17 =	vshll.u32 v20, v3  }
0x53: {  	v18 =	vld [tilespmem:s0+$0xFFFFFFE0];
	v20 =	vor.u32 v6, v24;
	[tilespmem:v11+s7+$0x0] =	vst.idx.msk $0xffff, v23;
	v24 =	vbroadcast v17, $0x0  }
0x54: {  	s3 =	simm.s32 $0x80;
	s4 =	simm.s32 $0x180;
	s0 =	simm.s32 $0x10860;
	[tilespmem:v13+s7+$0x0] =	vst.idx.msk $0xffff, v25;
	v17 =	vld [tilespmem:s2+$0xFFFFFFE0];
	v23 =	vor.u32 v4, v15;
	v15 =	vor.u32 v5, v26  }
.LBB2_4:
0x55: {  	v25 =	vmov s4;
	s5 =	sadd.s32 $0x20, s4;
	s6 =	sadd.s32 $0x60, s4;
	s3 =	sadd.s32 $0x40, s3;
	v26 =	vor.u32 v1, v24;
	v24 =	vld [tilespmem:s2+$0xFFFFFFF0];
	[tilespmem:v9+s8+$0x0] =	vst.idx.msk $0xffff, v19;
	v9 =	vmovc v12;
	v12 =	vmov v23  }
0x56: {  	v23 =	vshrl.u32 v25, $0x7;
	v19 =	vmov s5;
	s5 =	sadd.s32 $0x40, s4;
	v25 =	vmov s6;
	p0 =	slt.u32 s3, $0x7C0;
	v27 =	vld [tilespmem:s2+$0x0];
	[tilespmem:v14+s8+$0x0] =	vst.idx.msk $0xffff, v21;
	v14 =	vmovc v20  }
0x57: {  	v21 =	vshrl.u32 v19, $0x7;
	v28 =	vmov s5;
	v25 =	vshrl.u32 v25, $0x7;
	v19 =	vld [tilespmem:s1+$0xFFFFFFF0];
	[tilespmem:v8+s8+$0x0] =	vst.idx.msk $0xffff, v16;
	v8 =	vmovc v11;
	v11 =	vmovc v15  }
.Ltmp3:
0x58: {  	s1 =	sadd.s32 $0x40, s1;
	v29 =	vshll.u32 v21, v3;
	v21 =	vshrl.u32 v28, $0x7;
	v25 =	vshll.u32 v25, v3;
	[tilespmem:v20+s7+$0x0] =	vst.idx.msk $0xffff, v22;
	v16 =	vld [tilespmem:s0+$0x0];
	(pc) =	sbr.rel @p0 .LBB2_4-.Ltmp3, $4  }
0x59: {  	v20 =	vshll.u32 v23, v3;
	v22 =	vshll.u32 v21, v3;
	v23 =	vbroadcast v25, $0x0;
	v21 =	vld [tilespmem:s1+$0x10];
	[tilespmem:v10+s8+$0x0] =	vst.idx.msk $0xffff, v18  }
0x5a: {  	s2 =	sadd.s32 $0x40, s2;
	v25 =	vbroadcast v29, $0x0;
	v10 =	vmovc v13;
	v13 =	vmov v26;
	v28 =	vbroadcast v22, $0x0;
	[tilespmem:v12+s7+$0x0] =	vst.idx.msk $0xffff, v24;
	v18 =	vld [tilespmem:s0+$0xFFFFFFE0];
	s0 =	smov.u32 s1  }
0x5b: {  	v24 =	vbroadcast v20, $0x0;
	v22 =	vld [tilespmem:s2+$0x10];
	v20 =	vor.u32 v6, v23;
	[tilespmem:v15+s7+$0x0] =	vst.idx.msk $0xffff, v27  }
0x5c: {  	s4 =	sadd.s32 $0x80, s4;
	v23 =	vor.u32 v4, v25;
	v15 =	vor.u32 v5, v28;
	[tilespmem:v26+s7+$0x0] =	vst.idx.msk $0xffff, v17;
	v17 =	vld [tilespmem:s2+$0xFFFFFFE0]  }
0x5d: {  	_ =	sdelay $0x3  }
0x5e: {  	v25 =	vld [tilespmem:s2+$0xFFFFFFF0];
	[tilespmem:v9+s8+$0x0] =	vst.idx.msk $0xffff, v19  }
0x5f: {  	v57 =	vld [tilespmem:s2+$0x0];
	[tilespmem:v8+s8+$0x0] =	vst.idx.msk $0xffff, v16  }
0x60: {  	v58 =	vor.u32 v1, v24;
	[tilespmem:v14+s8+$0x0] =	vst.idx.msk $0xffff, v21  }
0x61: {  	v8 =	vld [tilespmem:s1+$0xFFFFFFF0];
	[tilespmem:v10+s8+$0x0] =	vst.idx.msk $0xffff, v18  }
0x62: {  	v60 =	vld [tilespmem:s0+$0x0];
	[tilespmem:v20+s7+$0x0] =	vst.idx.msk $0xffff, v22  }
0x63: {  	s31 =	sadd.s32 $0x40, s1;
	v61 =	vld [tilespmem:s0+$0xFFFFFFE0];
	[tilespmem:v23+s7+$0x0] =	vst.idx.msk $0xffff, v25  }
0x64: {  	v59 =	vld [tilespmem:s31+$0x10];
	[tilespmem:v15+s7+$0x0] =	vst.idx.msk $0xffff, v57  }
0x65: {  	[tilespmem:v58+s7+$0x0] =	vst.idx.msk $0xffff, v17;
	v62 =	vld [tilespmem:s31+$0xFFFFFFF0]  }
0x66: {  	[tilespmem:v12+s8+$0x0] =	vst.idx.msk $0xffff, v8;
	v8 =	vld [tilespmem:s31+$0x0]  }
0x67: {  	[tilespmem:v11+s8+$0x0] =	vst.idx.msk $0xffff, v60;
	v63 =	vld [tilespmem:s31+$0xFFFFFFE0]  }
0x68: {  	[tilespmem:v13+s8+$0x0] =	vst.idx.msk $0xffff, v61  }
0x69: {  	[tilespmem:v20+s8+$0x0] =	vst.idx.msk $0xffff, v59  }
0x6a: {  	[tilespmem:v23+s8+$0x0] =	vst.idx.msk $0xffff, v62  }
0x6b: {  	[tilespmem:v15+s8+$0x0] =	vst.idx.msk $0xffff, v8  }
0x6c: {  	[tilespmem:v58+s8+$0x0] =	vst.idx.msk $0xffff, v63  }
.LBB2_6:
0x6d: {  	s0 =	simm.s32 $0x1  }
0x6e: {  	_ =	swait.ge [sflag:s0], $0x4000  }
0x6f: {  	p1 =	seq.s32 s13, $0x0;
	[sflag:s0] =	ssyncset.done $0x0  }
0x70: {  	[sflag:s0] =	ssyncadd.s32 $0xFFFFC000;
	s0 =	simm.s32 @!p1 $0x3  }
0x71: {  	_ =	swait.ge @!p1 [sflag:s0], $0x4000  }
0x72: {  	s15 =	simm.s32 $0x0;
	[sflag:s0] =	ssyncset.done @!p1 $0x0  }
0x73: {  	s1 =	simm.s32 $0x0;
	s2 =	simm.s32 $0x30;
	[sflag:s0] =	ssyncadd.s32 @!p1 $0xFFFFC000  }
0x74: {  	s3 =	simm.s32 $0x10;
	s4 =	sand.u32 $0x3E00, s15;
	s5 =	sand.u32 $0x70, s2;
	v8 =	vld [tilespmem:s1+$0x11000]  }
0x75: {  	s6 =	sand.u32 $0x50, s3;
	s5 =	sor.u32 s5, s4;
	v18 =	vld [tilespmem:s1+$0x11030]  }
0x76: {  	s7 =	simm.s32 $0x20;
	s6 =	sor.u32 s6, s4;
	v9 =	vld [tilespmem:s5+$0x0]  }
0x77: {  	s8 =	sand.u32 $0x60, s7;
	v10 =	vmov s2;
	v11 =	vld [tilespmem:s6+$0x0]  }
0x78: {  	s9 =	sand.u32 $0x40, s15;
	v12 =	vor.u32 s2, v7;
	s8 =	sor.u32 s8, s4;
	v10 =	vshll.u32 v10, $0x2;
	v22 =	vld [tilespmem:s1+$0x12030]  }
0x79: {  	s16 =	sor.u32 s9, s4;
	v12 =	vand.u32 $0x7F, v12;
	v10 =	vand.u32 $0x3E00, v10;
	v13 =	vld [tilespmem:s8+$0x0]  }
0x7a: {  	v14 =	vor.u32 s15, v7;
	v23 =	vor.u32 v12, v10;
	v15 =	vld [tilespmem:s16+$0x0]  }
0x7b: {  	v16 =	vor.u32 s7, v7;
	v10 =	vmov s15;
	v38 =	vld [tilespmem:s1+$0x11010];
	v9 =	vmul.f32 v9, v18  }
0x7c: {  	v24 =	vand.u32 $0x4F, v14;
	v25 =	vshll.u32 v10, $0x2;
	v10 =	vmov s3;
	v37 =	vld [tilespmem:s1+$0x11020]  }
0x7d: {  	v12 =	vor.u32 s3, v7;
	v19 =	vshll.u32 v10, $0x2;
	v10 =	vld [tilespmem:s1+$0x12000];
	v9 =	vadd.f32 v9, v22  }
0x7e: {  	v12 =	vand.u32 $0x5F, v12;
	v17 =	vand.u32 $0x3E00, v25;
	v14 =	vld [tilespmem:s1+$0x12010];
	v19 =	vand.u32 $0x3E00, v19  }
0x7f: {  	v21 =	vmov s7;
	v20 =	vld [tilespmem:s1+$0x12020];
	v40 =	vor.u32 v12, v19;
	v12 =	vor.u32 v24, v17;
	[tilespmem:v23+s26+$0x0] =	vst.idx.msk $0xffff, v9  }
0x80: {  	v42 =	vshll.u32 v21, $0x2;
	v15 =	vmul.f32 v15, v8;
	v9 =	vmul.f32 v11, v38;
	v11 =	vld [tilespmem:s5+$0x80]  }
0x81: {  	v41 =	vand.u32 $0x6F, v16;
	v16 =	vand.u32 $0x3E00, v42  }
0x82: {  	v26 =	vor.u32 v41, v16;
	v15 =	vadd.f32 v15, v10  }
0x83: {  	v13 =	vmul.f32 v13, v37;
	v9 =	vadd.f32 v9, v14  }
0x84: {  	s20 =	simm.s32 $0x40;
	v16 =	vor.u32 $0x80, v23;
	[tilespmem:v12+s26+$0x0] =	vst.idx.msk $0xffff, v15  }
0x85: {  	s17 =	sand.u32 $0x7, s15;
	v36 =	vld [tilespmem:s20+$0x11030];
	[tilespmem:v40+s26+$0x0] =	vst.idx.msk $0xffff, v9;
	v9 =	vadd.f32 v13, v20;
	v11 =	vmul.f32 v11, v18  }
0x86: {  	s18 =	simm.s32 $0x100;
	s19 =	simm.s32 $0x70;
	s1 =	sshll.u32 s17, $0x4;
	v15 =	vld [tilespmem:s16+$0x80]  }
0x87: {  	s21 =	sand.u32 $0x3E00, s18;
	s22 =	sand.u32 $0x70, s19;
	s1 =	sadd.s32 $0x0, s1;
	v13 =	vld [tilespmem:s6+$0x80];
	[tilespmem:v26+s26+$0x0] =	vst.idx.msk $0xffff, v9;
	v9 =	vadd.f32 v11, v22  }
0x88: {  	s24 =	sor.u32 s22, s21;
	s23 =	sadd.s32 $0x30, s1;
	v11 =	vld [tilespmem:s8+$0x80]  }
0x89: {  	s25 =	sor.u32 $0x100, s23;
	[tilespmem:v16+s26+$0x0] =	vst.idx.msk $0xffff, v9;
	v16 =	vld [tilespmem:s24+$0x0]  }
0x8a: {  	v9 =	vmov s19;
	v17 =	vld [tilespmem:s25+$0x0]  }
0x8b: {  	s28 =	simm.s32 $0x50;
	v21 =	vor.u32 s19, v7;
	v35 =	vld [tilespmem:s20+$0x12030];
	v27 =	vshll.u32 v9, $0x2  }
0x8c: {  	s30 =	sand.u32 $0x50, s28;
	v21 =	vand.u32 $0x7F, v21;
	v13 =	vmul.f32 v13, v38;
	v27 =	vand.u32 $0x3E00, v27  }
0x8d: {  	s10 =	simm.s32 $0x40;
	s2 =	sor.u32 s30, s21;
	v28 =	vor.u32 $0x80, v12;
	v12 =	vmul.f32 v15, v8;
	v43 =	vor.u32 v21, v27  }
0x8e: {  	s12 =	sand.u32 $0x40, s10;
	v29 =	vld [tilespmem:s2+$0x0];
	v21 =	vadd.f32 v13, v14;
	v11 =	vmul.f32 v11, v37;
	v13 =	vmul.f32 v16, v36  }
0x8f: {  	s5 =	sor.u32 s12, s21;
	v30 =	vadd.f32 v12, v10;
	v9 =	vld [tilespmem:s20+$0x11000];
	v16 =	vor.u32 $0x100, v23;
	v12 =	vmul.f32 v17, v18  }
0x90: {  	v34 =	vmov s10;
	v32 =	vadd.f32 v11, v20;
	v17 =	vld [tilespmem:s5+$0x0];
	v11 =	vadd.f32 v13, v35  }
0x91: {  	v19 =	vor.u32 $0x80, v40;
	v15 =	vld [tilespmem:s20+$0x11010];
	v33 =	vadd.f32 v12, v22;
	v12 =	vor.u32 s10, v7  }
0x92: {  	s29 =	simm.s32 $0x60;
	v56 =	vmov s28;
	v45 =	vor.u32 s28, v7;
	v39 =	vand.u32 $0x4F, v12;
	v12 =	vld [tilespmem:s20+$0x12010];
	[tilespmem:v43+s26+$0x0] =	vst.idx.msk $0xffff, v11  }
0x93: {  	s11 =	sand.u32 $0x60, s29;
	v44 =	vshll.u32 v34, $0x2;
	v34 =	vshll.u32 v56, $0x2;
	v31 =	vor.u32 $0x80, v26;
	v47 =	vld [tilespmem:s24+$0x80]  }
0x94: {  	v46 =	vor.u32 s29, v7;
	s11 =	sor.u32 s11, s21;
	v34 =	vand.u32 $0x3E00, v34;
	s0 =	sand.u32 $0x3, s15;
	v11 =	vld [tilespmem:s20+$0x12000];
	[tilespmem:v16+s26+$0x0] =	vst.idx.msk $0xffff, v33;
	v16 =	vand.u32 $0x5F, v45  }
0x95: {  	p0 =	por $0x0, $0x0;
	v57 =	vand.u32 $0x3E00, v44;
	s0 =	sshll.u32 s0, $0x5;
	s6 =	sor.u32 $0x180, s23;
	[tilespmem:v28+s26+$0x0] =	vst.idx.msk $0xffff, v30;
	v27 =	vld [tilespmem:s11+$0x0];
	v49 =	vmul.f32 v17, v9;
	v17 =	vor.u32 v16, v34  }
0x96: {  	s7 =	simm.s32 $0x1;
	s0 =	sadd.s32 $0x0, s0;
	s1 =	sadd.s32 $0x10, s1;
	v28 =	vmul.f32 v29, v15;
	[tilespmem:v19+s26+$0x0] =	vst.idx.msk $0xffff, v21;
	v19 =	vmov s29;
	v29 =	vor.u32 v39, v57;
	v48 =	vld [tilespmem:s6+$0x0]  }
0x97: {  	s7 =	simm.s32 @!p0 $0x0;
	s15 =	sadd.s32 $0x20, s0;
	s16 =	sor.u32 $0x100, s1;
	v58 =	vor.u32 $0x80, v43;
	v21 =	vand.u32 $0x6F, v46;
	v19 =	vshll.u32 v19, $0x2;
	v13 =	vld [tilespmem:s20+$0x11020]  }
0x98: {  	s14 =	sshll.u32 s7, $0x6;
	s17 =	sor.u32 $0x100, s15;
	[tilespmem:v31+s26+$0x0] =	vst.idx.msk $0xffff, v32;
	v30 =	vand.u32 $0x3E00, v19;
	v31 =	vld [tilespmem:s16+$0x0];
	v28 =	vadd.f32 v28, v12;
	v59 =	vmul.f32 v47, v36  }
0x99: {  	s18 =	simm.s32 $0x4;
	v45 =	vor.u32 v21, v30;
	v30 =	vld [tilespmem:s17+$0x0];
	s6 =	sadd.s32 $0x0, s14;
	v60 =	vadd.f32 v49, v11  }
0x9a: {  	s0 =	sand.u32 $0x7, s18;
	v16 =	vld [tilespmem:s20+$0x12020];
	s19 =	sor.u32 $0x100, s6;
	[tilespmem:v17+s26+$0x0] =	vst.idx.msk $0xffff, v28;
	v28 =	vadd.f32 v59, v35  }
0x9b: {  	s0 =	sshll.u32 s0, $0x4;
	v61 =	vld [tilespmem:s19+$0x0];
	v18 =	vmul.f32 v48, v18;
	[tilespmem:v29+s26+$0x0] =	vst.idx.msk $0xffff, v60  }
0x9c: {  	s4 =	sadd.s32 $0x100, s0;
	v62 =	vld [tilespmem:s2+$0x80];
	[tilespmem:v58+s26+$0x0] =	vst.idx.msk $0xffff, v28  }
0x9d: {  	s30 =	sshll.u32 s13, $0x3;
	s20 =	sadd.s32 $0x30, s4;
	v27 =	vmul.f32 v27, v13;
	v63 =	vadd.f32 v18, v22;
	v22 =	vld [tilespmem:s5+$0x80];
	[dreg:$0x12] =	wrdreg s13  }
0x9e: {  	s29 =	sor.u32 $0x100, s20;
	v18 =	vmul.f32 v31, v38;
	[dreg:$0x13] =	wrdreg s30  }
0x9f: {  	s9 =	simm.s32 $0xB0;
	s0 =	simm.s32 $0x80;
	v46 =	vor.u32 v25, v24;
	v24 =	vmul.f32 v30, v37;
	v27 =	vadd.f32 v27, v16;
	v25 =	vld [tilespmem:s29+$0x0]  }
0xa0: {  	s31 =	simm.s32 $0x300;
	v53 =	vmov s9;
	v55 =	vor.u32 s9, v7;
	s5 =	simm.s32 $0x200;
	v31 =	vadd.f32 v18, v14;
	v18 =	vld [tilespmem:s0+$0x11000]  }
0xa1: {  	s22 =	sand.u32 $0x70, s9;
	v23 =	vor.u32 $0x180, v23;
	s10 =	simm.s32 $0x90;
	v1 =	vadd.f32 v24, v20;
	v30 =	vmul.f32 v61, v8;
	s21 =	sand.u32 $0x3E00, s5;
	[tilespmem:v45+s26+$0x0] =	vst.idx.msk $0xffff, v27;
	v24 =	vld [tilespmem:s0+$0x11030]  }
0xa2: {  	p0 =	por !p0, !p0;
	v53 =	vshll.u32 v53, $0x2;
	v55 =	vand.u32 $0x7F, v55;
	v41 =	vor.u32 v41, v42;
	s23 =	sand.u32 $0x50, s10;
	s5 =	sor.u32 s22, s21;
	v27 =	vld [tilespmem:s11+$0x80]  }
0xa3: {  	v0 =	vor.u32 $0x100, v26;
	v53 =	vand.u32 $0x3E00, v53;
	s2 =	sor.u32 $0x180, s15;
	s15 =	simm.s32 $0x80;
	v50 =	vadd.f32 v30, v10;
	s3 =	sor.u32 s23, s21;
	v30 =	vld [tilespmem:s5+$0x0]  }
0xa4: {  	s8 =	simm.s32 $0xE0;
	v2 =	vor.u32 $0x100, v43;
	s24 =	simm.s32 $0xA0;
	v51 =	vor.u32 $0x80, v29;
	s16 =	sand.u32 $0x40, s15;
	v28 =	vor.u32 $0x100, v40;
	v52 =	vld [tilespmem:s3+$0x0]  }
0xa5: {  	s25 =	simm.s32 $0x2;
	s28 =	sand.u32 $0x60, s24;
	v54 =	vor.u32 $0x80, v45;
	v49 =	vor.u32 $0x80, v17;
	s13 =	sor.u32 s16, s21;
	v26 =	vld [tilespmem:s0+$0x12030];
	v29 =	vmul.f32 v62, v15  }
0xa6: {  	s14 =	simm.s32 $0x1;
	s4 =	sadd.s32 $0x10, s4;
	s6 =	sor.u32 $0x180, s6;
	v47 =	vor.u32 $0x100, v46;
	v58 =	vld [tilespmem:s13+$0x0];
	[tilespmem:v23+s26+$0x0] =	vst.idx.msk $0xffff, v63;
	v22 =	vmul.f32 v22, v9;
	v25 =	vmul.f32 v25, v36  }
0xa7: {  	s14 =	simm.s32 @!p0 $0x0;
	s17 =	sor.u32 $0x180, s20;
	v34 =	vld [tilespmem:s0+$0x12010];
	s11 =	sor.u32 s28, s21;
	v57 =	vadd.f32 v29, v12;
	v29 =	vmul.f32 v27, v13;
	v27 =	vor.u32 v55, v53  }
0xa8: {  	p0 =	por !p0, !p0;
	v3 =	vor.u32 s15, v7;
	s30 =	sor.u32 $0x180, s1;
	s16 =	sshll.u32 s14, $0x6;
	[tilespmem:v0+s26+$0x0] =	vst.idx.msk $0xffff, v1;
	v56 =	vld [tilespmem:s11+$0x0];
	v59 =	vmul.f32 v30, v24;
	v25 =	vadd.f32 v25, v35  }
0xa9: {  	s22 =	sor.u32 $0x100, s4;
	s4 =	sor.u32 $0x180, s4;
	s29 =	sand.u32 $0x3, s25;
	v23 =	vmov s15;
	v1 =	vor.u32 s24, v7;
	[tilespmem:v28+s26+$0x0] =	vst.idx.msk $0xffff, v31;
	v53 =	vadd.f32 v22, v11;
	v22 =	vld [tilespmem:s0+$0x11010]  }
0xaa: {  	s1 =	sadd.s32 $0x100, s16;
	s16 =	simm.s32 $0x1;
	v0 =	vmov s10;
	s12 =	sshll.u32 s29, $0x5;
	v32 =	vand.u32 $0x6F, v1;
	v31 =	vld [tilespmem:s0+$0x11020];
	v28 =	vadd.f32 v59, v26;
	[tilespmem:v2+s26+$0x0] =	vst.idx.msk $0xffff, v25  }
0xab: {  	s18 =	sor.u32 $0x100, s1;
	s7 =	sor.u32 $0x180, s1;
	s21 =	simm.s32 $0x4;
	v30 =	vshll.u32 v23, $0x2;
	v60 =	vadd.f32 v29, v16;
	v29 =	vand.u32 $0x4F, v3;
	v55 =	vld [tilespmem:s17+$0x0]  }
0xac: {  	s16 =	simm.s32 @!p0 $0x0;
	p0 =	por !p0, !p0;
	s12 =	sadd.s32 $0x100, s12;
	v23 =	vld [tilespmem:s0+$0x12000];
	v3 =	vmov s24;
	v25 =	vor.u32 s10, v7;
	[tilespmem:v27+s26+$0x0] =	vst.idx.msk $0xffff, v28;
	v28 =	vshll.u32 v0, $0x2  }
0xad: {  	s1 =	sand.u32 $0x3, s21;
	s21 =	simm.s32 $0x8;
	s19 =	sadd.s32 $0x20, s12;
	[tilespmem:v49+s26+$0x0] =	vst.idx.msk $0xffff, v57;
	v2 =	vand.u32 $0x3E00, v30;
	v25 =	vand.u32 $0x5F, v25;
	v28 =	vand.u32 $0x3E00, v28;
	v57 =	vld [tilespmem:s5+$0x80]  }
0xae: {  	s23 =	sshll.u32 s16, $0x6;
	s28 =	sand.u32 $0x7, s21;
	s20 =	sor.u32 $0x100, s19;
	[tilespmem:v51+s26+$0x0] =	vst.idx.msk $0xffff, v53;
	v62 =	vmul.f32 v52, v22;
	v33 =	vor.u32 v25, v28;
	v25 =	vld [tilespmem:s0+$0x12020];
	v28 =	vshll.u32 v3, $0x2  }
0xaf: {  	s12 =	sor.u32 $0x180, s19;
	s19 =	simm.s32 $0x1;
	s14 =	sshll.u32 s28, $0x4;
	v53 =	vld [tilespmem:s22+$0x0];
	[tilespmem:v54+s26+$0x0] =	vst.idx.msk $0xffff, v60;
	v52 =	vor.u32 $0x180, v43;
	v43 =	vor.u32 v29, v2;
	v63 =	vand.u32 $0x3E00, v28  }
0xb0: {  	v61 =	vmul.f32 v58, v18;
	s19 =	simm.s32 @!p0 $0x0;
	s29 =	sadd.s32 $0x200, s14;
	s14 =	simm.s32 $0x100;
	v48 =	vld [tilespmem:s20+$0x0];
	v0 =	vmul.f32 v55, v36;
	v36 =	vor.u32 v32, v63  }
0xb1: {  	[tilespmem:v47+s26+$0x0] =	vst.idx.msk $0xffff, v50;
	s19 =	sshll.u32 s19, $0x6;
	v50 =	vor.u32 $0x80, v27;
	s24 =	sshll.u32 s1, $0x5;
	s1 =	simm.s32 $0xC0;
	v1 =	vmul.f32 v56, v31;
	v51 =	vld [tilespmem:s18+$0x0];
	v3 =	vadd.f32 v62, v34  }
0xb2: {  	v59 =	vor.u32 $0x100, v45;
	s25 =	sadd.s32 $0x200, s24;
	s10 =	sadd.s32 $0x200, s23;
	s15 =	sand.u32 $0x40, s1;
	v2 =	vadd.f32 v61, v23;
	v62 =	vmul.f32 v57, v24;
	v57 =	vld [tilespmem:s30+$0x0]  }
0xb3: {  	s24 =	sand.u32 $0x60, s8;
	s16 =	sor.u32 $0x100, s10;
	s5 =	sadd.s32 $0x20, s25;
	v60 =	vadd.f32 v0, v35;
	v0 =	vor.u32 $0x100, v17;
	[tilespmem:v33+s26+$0x0] =	vst.idx.msk $0xffff, v3;
	v63 =	vadd.f32 v1, v25;
	v1 =	vld [tilespmem:s2+$0x0]  }
0xb4: {  	s10 =	sor.u32 $0x180, s10;
	s17 =	simm.s32 $0x6;
	v54 =	vor.u32 $0x180, v40;
	s0 =	sor.u32 $0x100, s5;
	v53 =	vmul.f32 v53, v15;
	[tilespmem:v43+s26+$0x0] =	vst.idx.msk $0xffff, v2;
	v56 =	vld [tilespmem:s3+$0x80];
	v2 =	vadd.f32 v62, v26  }
0xb5: {  	v40 =	vor.u32 $0x180, v41;
	s9 =	sor.u32 $0x180, s5;
	s5 =	simm.s32 $0xD0;
	v35 =	vor.u32 v44, v39;
	v49 =	vld [tilespmem:s13+$0x80];
	v3 =	vmul.f32 v48, v13;
	s3 =	sadd.s32 $0x30, s29;
	[tilespmem:v36+s26+$0x0] =	vst.idx.msk $0xffff, v63  }
0xb6: {  	s20 =	sand.u32 $0x3, s17;
	s23 =	sand.u32 $0x50, s5;
	v58 =	vor.u32 $0x100, v35;
	v48 =	vmul.f32 v51, v9;
	v51 =	vadd.f32 v53, v12;
	s30 =	sor.u32 $0x100, s3;
	[tilespmem:v50+s26+$0x0] =	vst.idx.msk $0xffff, v2;
	v50 =	vld [tilespmem:s11+$0x80]  }
0xb7: {  	v39 =	vor.u32 $0x180, v46;
	s13 =	sshll.u32 s20, $0x5;
	s20 =	simm.s32 $0xF0;
	s2 =	sadd.s32 $0x10, s29;
	[tilespmem:v52+s26+$0x0] =	vst.idx.msk $0xffff, v60;
	v63 =	vadd.f32 v3, v16;
	v44 =	vld [tilespmem:s30+$0x0];
	v61 =	vmul.f32 v57, v38  }
0xb8: {  	s18 =	sor.u32 $0x100, s2;
	s2 =	sor.u32 $0x180, s2;
	v62 =	vadd.f32 v48, v11;
	s11 =	simm.s32 $0xC0;
	v38 =	vld [tilespmem:s6+$0x0];
	v57 =	vor.u32 $0x80, v33;
	[tilespmem:v0+s26+$0x0] =	vst.idx.msk $0xffff, v51;
	v60 =	vmul.f32 v1, v37  }
.LBB2_7:
0xb9: {  	p2 =	slt.u32 s14, $0xFC0;
	s28 =	sand.u32 $0x3E00, s31;
	s30 =	sand.u32 $0x70, s20;
	v43 =	vor.u32 $0x80, v43;
	v45 =	vmul.f32 v56, v22;
	v46 =	vadd.f32 v61, v14  }
0xba: {  	v42 =	vld [tilespmem:s11+$0x11000];
	[tilespmem:v59+s26+$0x0] =	vst.idx.msk $0xffff, v63;
	v37 =	vmovc v13;
	v13 =	vmovc v31;
	v14 =	vmov v12;
	v12 =	vmov v34;
	v41 =	vmov v21;
	s22 =	smov.u32 s16;
	s6 =	smov.u32 s7;
	s7 =	smov.u32 s10  }
0xbb: {  	v31 =	vor.u32 $0x80, v36;
	s29 =	sor.u32 s23, s28;
	s25 =	sor.u32 s24, s28;
	v47 =	vld [tilespmem:s11+$0x11030];
	s23 =	sor.u32 s30, s28;
	v0 =	vmul.f32 v49, v18;
	[tilespmem:v58+s26+$0x0] =	vst.idx.msk $0xffff, v62;
	v20 =	vadd.f32 v60, v20  }
0xbc: {  	s10 =	sadd.s32 s19, s31;
	s24 =	sadd.s32 s31, s13;
	s13 =	sor.u32 s15, s28;
	v49 =	vor.u32 $0x100, v27;
	v34 =	vld [tilespmem:s23+$0x0];
	v45 =	vadd.f32 v45, v12;
	v48 =	vmul.f32 v50, v13;
	[tilespmem:v54+s26+$0x0] =	vst.idx.msk $0xffff, v46  }
0xbd: {  	v21 =	vmovc v32;
	s16 =	sor.u32 $0x100, s10;
	s10 =	sor.u32 $0x180, s10;
	s19 =	sadd.s32 $0x20, s24;
	v50 =	vmov s20;
	v46 =	vld [tilespmem:s29+$0x0];
	v51 =	vadd.f32 v0, v23;
	v44 =	vmul.f32 v44, v24;
	[tilespmem:v40+s26+$0x0] =	vst.idx.msk $0xffff, v20  }
0xbe: {  	s15 =	sor.u32 $0x100, s19;
	s24 =	sor.u32 $0x180, s19;
	v20 =	vor.u32 s20, v7;
	v32 =	vshll.u32 v50, $0x2;
	v40 =	vmovc v17;
	s19 =	smov.u32 s12;
	v52 =	vld [tilespmem:s11+$0x12030];
	[tilespmem:v57+s26+$0x0] =	vst.idx.msk $0xffff, v45;
	v45 =	vadd.f32 v48, v25  }
0xbf: {  	v17 =	vmovc v33;
	s12 =	smov.u32 s9;
	v20 =	vand.u32 $0x7F, v20;
	v32 =	vand.u32 $0x3E00, v32;
	s9 =	smov.u32 s24;
	s24 =	smov.u32 s4;
	v48 =	vld [tilespmem:s25+$0x0];
	[tilespmem:v43+s26+$0x0] =	vst.idx.msk $0xffff, v51;
	v43 =	vadd.f32 v44, v26  }
0xc0: {  	v33 =	vor.u32 s1, v7;
	v0 =	vmul.f32 v38, v8;
	s4 =	smov.u32 s2;
	v50 =	vor.u32 v20, v32;
	v44 =	vld [tilespmem:s13+$0x0];
	[tilespmem:v31+s26+$0x0] =	vst.idx.msk $0xffff, v45  }
0xc1: {  	v38 =	vand.u32 $0x4F, v33;
	s2 =	sor.u32 $0x180, s3;
	v8 =	vmovc v9;
	v9 =	vmovc v18;
	v31 =	vmov s1;
	s1 =	smov.u32 s14;
	v45 =	vld [tilespmem:s11+$0x11010];
	v32 =	vmul.f32 v34, v47;
	[tilespmem:v49+s26+$0x0] =	vst.idx.msk $0xffff, v43  }
0xc2: {  	v33 =	vor.u32 s5, v7;
	v18 =	vmovc v42;
	v49 =	vshll.u32 v31, $0x2;
	v34 =	vadd.f32 v0, v10;
	v10 =	vmovc v11;
	v43 =	vld [tilespmem:s2+$0x0]  }
0xc3: {  	v42 =	vmov s5;
	v51 =	vor.u32 s8, v7;
	v11 =	vmovc v23;
	v20 =	vmovc v16;
	v31 =	vld [tilespmem:s11+$0x11020];
	v53 =	vadd.f32 v32, v52  }
0xc4: {  	v55 =	vmov s8;
	v57 =	vmovc v19;
	v33 =	vand.u32 $0x5F, v33;
	v16 =	vmovc v25;
	v54 =	vand.u32 $0x3E00, v49;
	v23 =	vld [tilespmem:s11+$0x12000];
	[tilespmem:v39+s26+$0x0] =	vst.idx.msk $0xffff, v34  }
0xc5: {  	v19 =	vmovc v28;
	v25 =	vshll.u32 v42, $0x2;
	v32 =	vand.u32 $0x6F, v51;
	v39 =	vmul.f32 v44, v18;
	v34 =	vld [tilespmem:s11+$0x12010];
	[tilespmem:v50+s26+$0x0] =	vst.idx.msk $0xffff, v53  }
0xc6: {  	v25 =	vand.u32 $0x3E00, v25;
	v42 =	vmul.f32 v46, v45;
	v44 =	vld [tilespmem:s23+$0x80];
	v46 =	vor.u32 $0x180, v27;
	v27 =	vmovc v50;
	v50 =	vmovc v36  }
0xc7: {  	v28 =	vshll.u32 v55, $0x2;
	v33 =	vor.u32 v33, v25;
	v25 =	vld [tilespmem:s11+$0x12020];
	v51 =	vmul.f32 v43, v24;
	v24 =	vmovc v47;
	v47 =	vmovc v35  }
0xc8: {  	v43 =	vor.u32 v38, v54;
	v35 =	vand.u32 $0x3E00, v28;
	v48 =	vmul.f32 v48, v31;
	v53 =	vld [tilespmem:s18+$0x0]  }
0xc9: {  	p0 =	por !p0, !p0;
	s17 =	sadd.s32 $0x2, s17;
	v36 =	vor.u32 v32, v35;
	v54 =	vadd.f32 v39, v23;
	v55 =	vld [tilespmem:s0+$0x0];
	v39 =	vadd.f32 v51, v26;
	v26 =	vmovc v52;
	s0 =	smov.u32 s15  }
0xca: {  	s21 =	sadd.s32 $0x4, s21;
	s20 =	sand.u32 $0x3, s17;
	s5 =	sadd.s32 $0x10, s14;
	v51 =	vor.u32 $0x80, v27;
	v42 =	vadd.f32 v42, v34;
	v52 =	vld [tilespmem:s22+$0x0]  }
0xcb: {  	s2 =	sand.u32 $0x7, s21;
	s11 =	simm.s32 $0x1;
	v35 =	vor.u32 v30, v29;
	v29 =	vmov v38;
	s15 =	sand.u32 $0x40, s14;
	v44 =	vmul.f32 v44, v24;
	[tilespmem:v46+s26+$0x0] =	vst.idx.msk $0xffff, v39;
	v46 =	vld [tilespmem:s24+$0x0]  }
0xcc: {  	s8 =	sadd.s32 $0x20, s14;
	s2 =	sshll.u32 s2, $0x4;
	s11 =	simm.s32 @!p0 $0x0;
	v30 =	vmovc v49;
	v39 =	vor.u32 $0x180, v47;
	[tilespmem:v33+s26+$0x0] =	vst.idx.msk $0xffff, v42;
	v38 =	vadd.f32 v48, v25;
	v42 =	vor.u32 $0x100, v17;
	v47 =	vld [tilespmem:s19+$0x0]  }
.Ltmp4:
0xcd: {  	s2 =	sadd.s32 s31, s2;
	s23 =	sand.u32 $0x50, s5;
	v59 =	vor.u32 $0x100, v50;
	[tilespmem:v43+s26+$0x0] =	vst.idx.msk $0xffff, v54;
	v56 =	vld [tilespmem:s29+$0x80];
	v44 =	vadd.f32 v44, v26;
	v48 =	vmul.f32 v53, v22;
	(pc) =	sbr.rel @p2 .LBB2_7-.Ltmp4, $4  }
0xce: {  	v41 =	vor.u32 v41, v57;
	s3 =	sadd.s32 $0x30, s2;
	s2 =	sadd.s32 $0x10, s2;
	v58 =	vor.u32 $0x100, v35;
	s24 =	sand.u32 $0x60, s8;
	v49 =	vld [tilespmem:s13+$0x80];
	[tilespmem:v36+s26+$0x0] =	vst.idx.msk $0xffff, v38;
	v38 =	vmul.f32 v55, v13  }
0xcf: {  	s18 =	sor.u32 $0x100, s2;
	s2 =	sor.u32 $0x180, s2;
	s22 =	sor.u32 $0x100, s3;
	v54 =	vor.u32 $0x180, v40;
	v50 =	vld [tilespmem:s25+$0x80];
	[tilespmem:v51+s26+$0x0] =	vst.idx.msk $0xffff, v44;
	v51 =	vmul.f32 v52, v9;
	v48 =	vadd.f32 v48, v12  }
0xd0: {  	s31 =	sadd.s32 $0x100, s31;
	s19 =	sshll.u32 s11, $0x6;
	v40 =	vor.u32 $0x180, v41;
	s13 =	sshll.u32 s20, $0x5;
	v44 =	vld [tilespmem:s22+$0x0];
	v63 =	vadd.f32 v38, v16;
	v61 =	vmul.f32 v46, v15;
	v15 =	vmovc v22;
	v22 =	vmovc v45  }
0xd1: {  	v57 =	vor.u32 $0x80, v33;
	s14 =	sadd.s32 $0x40, s14;
	s11 =	sshra.s32 s31, $0x2;
	s20 =	sadd.s32 $0x30, s1;
	v62 =	vadd.f32 v51, v11;
	[tilespmem:v42+s26+$0x0] =	vst.idx.msk $0xffff, v48;
	v38 =	vld [tilespmem:s6+$0x0];
	v60 =	vmul.f32 v47, v37  }
0xd2: {  	v0 =	vld [tilespmem:s11+$0x11000];
	_ =	sdelay $0x4  }
0xd3: {  	s6 =	sand.u32 $0x3E00, s31;
	s14 =	sand.u32 $0x70, s20;
	[tilespmem:$0x1FF80] =	vst v0  }
0xd4: {  	s14 =	sor.u32 s14, s6;
	v55 =	vld [tilespmem:s11+$0x11030]  }
0xd5: {  	s17 =	sor.u32 s23, s6;
	v45 =	vld [tilespmem:s14+$0x0]  }
0xd6: {  	v37 =	vld [tilespmem:s17+$0x0]  }
0xd7: {  	v42 =	vmov s20;
	v46 =	vor.u32 s20, v7;
	s29 =	sor.u32 s24, s6;
	v48 =	vld [tilespmem:s11+$0x12030]  }
0xd8: {  	v47 =	vor.u32 s1, v7;
	v51 =	vmov s1;
	v42 =	vshll.u32 v42, $0x2;
	s6 =	sor.u32 s15, s6;
	v41 =	vld [tilespmem:s29+$0x0]  }
0xd9: {  	v46 =	vand.u32 $0x7F, v46;
	v42 =	vand.u32 $0x3E00, v42;
	v0 =	vand.u32 $0x4F, v47;
	v5 =	vld [tilespmem:s6+$0x0]  }
0xda: {  	v52 =	vor.u32 s5, v7;
	v53 =	vmov s5;
	v4 =	vor.u32 v46, v42;
	v46 =	vld [tilespmem:s11+$0x11010];
	[tilespmem:$0x1FF90] =	vst v0  }
0xdb: {  	v2 =	vmov s8;
	v3 =	vshll.u32 v51, $0x2;
	v1 =	vmul.f32 v44, v24;
	v44 =	vld [tilespmem:s11+$0x11020]  }
0xdc: {  	v2 =	vshll.u32 v2, $0x2;
	v47 =	vshll.u32 v53, $0x2;
	v51 =	vld [tilespmem:s11+$0x12010];
	v45 =	vmul.f32 v45, v55  }
0xdd: {  	v53 =	vand.u32 $0x5F, v52;
	v52 =	vand.u32 $0x3E00, v47;
	v47 =	vld [tilespmem:s11+$0x12020];
	[tilespmem:$0x1FFA0] =	vst v2  }
0xde: {  	v6 =	vor.u32 s8, v7;
	[tilespmem:v59+s26+$0x0] =	vst.idx.msk $0xffff, v63;
	v45 =	vadd.f32 v45, v48  }
0xdf: {  	v6 =	vand.u32 $0x6F, v6;
	[tilespmem:v58+s26+$0x0] =	vst.idx.msk $0xffff, v62  }
0xe0: {  	v42 =	vor.u32 $0x100, v27;
	v53 =	vor.u32 v53, v52;
	v2 =	vand.u32 $0x3E00, v2;
	[tilespmem:v4+s26+$0x0] =	vst.idx.msk $0xffff, v45  }
0xe1: {  	v52 =	vor.u32 v6, v2;
	v2 =	vadd.f32 v1, v26;
	v1 =	vmul.f32 v41, v44;
	v41 =	vld [tilespmem:$0x1FF80]  }
0xe2: {  	v45 =	vld [tilespmem:s11+$0x12000]  }
0xe3: {  	v37 =	vmul.f32 v37, v46;
	v59 =	vld [tilespmem:s14+$0x80]  }
0xe4: {  	v63 =	vand.u32 $0x3E00, v3  }
0xe5: {  	v63 =	vor.u32 v0, v63;
	v37 =	vadd.f32 v37, v51  }
0xe6: {  	v1 =	vadd.f32 v1, v47;
	[tilespmem:v42+s26+$0x0] =	vst.idx.msk $0xffff, v2;
	v5 =	vmul.f32 v5, v41  }
0xe7: {  	v14 =	vadd.f32 v61, v14;
	s15 =	sadd.s32 $0x4, s21;
	v42 =	vmul.f32 v56, v22;
	v56 =	vor.u32 $0x80, v4;
	[tilespmem:v53+s26+$0x0] =	vst.idx.msk $0xffff, v37  }
0xe8: {  	s1 =	sand.u32 $0x7, s15;
	[tilespmem:v52+s26+$0x0] =	vst.idx.msk $0xffff, v1;
	v59 =	vmul.f32 v59, v55;
	v5 =	vadd.f32 v5, v45  }
0xe9: {  	s1 =	sshll.u32 s1, $0x4;
	v58 =	vor.u32 $0x80, v36;
	v0 =	vmov v4;
	[tilespmem:v54+s26+$0x0] =	vst.idx.msk $0xffff, v14;
	v37 =	vld [tilespmem:s17+$0x80];
	v4 =	vadd.f32 v42, v34  }
0xea: {  	s1 =	sadd.s32 s31, s1;
	v61 =	vadd.f32 v59, v48;
	[tilespmem:v63+s26+$0x0] =	vst.idx.msk $0xffff, v5;
	v5 =	vor.u32 $0x80, v43;
	v43 =	vmul.f32 v50, v31  }
0xeb: {  	v54 =	vmul.f32 v49, v18;
	v1 =	vld [tilespmem:s29+$0x80];
	s17 =	sadd.s32 $0x30, s1;
	[tilespmem:v57+s26+$0x0] =	vst.idx.msk $0xffff, v4  }
0xec: {  	s20 =	sor.u32 $0x100, s17;
	[tilespmem:v56+s26+$0x0] =	vst.idx.msk $0xffff, v61;
	v62 =	vld [tilespmem:s6+$0x80];
	v4 =	vadd.f32 v43, v25  }
0xed: {  	v14 =	vadd.f32 v54, v23;
	v42 =	vor.u32 $0x80, v53;
	v57 =	vld [tilespmem:s20+$0x0]  }
0xee: {  	v43 =	vld [tilespmem:s18+$0x0];
	[tilespmem:v58+s26+$0x0] =	vst.idx.msk $0xffff, v4;
	v4 =	vmul.f32 v38, v8;
	v8 =	vmul.f32 v37, v46  }
0xef: {  	v20 =	vadd.f32 v60, v20;
	v58 =	vor.u32 $0x80, v52  }
0xf0: {  	v1 =	vmul.f32 v1, v44;
	[tilespmem:v5+s26+$0x0] =	vst.idx.msk $0xffff, v14;
	v5 =	vor.u32 $0x80, v63;
	v8 =	vadd.f32 v8, v51  }
0xf1: {  	s14 =	sor.u32 $0x180, s3;
	[tilespmem:v40+s26+$0x0] =	vst.idx.msk $0xffff, v20;
	v63 =	vor.u32 $0x100, v0;
	v4 =	vadd.f32 v4, v10;
	v60 =	vmul.f32 v62, v41  }
0xf2: {  	v2 =	vld [tilespmem:s14+$0x0];
	v1 =	vadd.f32 v1, v47;
	v49 =	vmul.f32 v57, v55;
	[tilespmem:v42+s26+$0x0] =	vst.idx.msk $0xffff, v8;
	v42 =	vor.u32 $0x100, v33  }
0xf3: {  	v61 =	vld [tilespmem:s4+$0x0];
	v50 =	vmul.f32 v43, v22;
	v10 =	vadd.f32 v60, v45;
	[tilespmem:v39+s26+$0x0] =	vst.idx.msk $0xffff, v4  }
0xf4: {  	v59 =	vld [tilespmem:s0+$0x0];
	v62 =	vor.u32 $0x180, v27;
	v27 =	vor.u32 v30, v29;
	v30 =	vadd.f32 v49, v48;
	[tilespmem:v58+s26+$0x0] =	vst.idx.msk $0xffff, v1  }
0xf5: {  	s1 =	sadd.s32 $0x10, s1;
	v14 =	vld [tilespmem:s16+$0x0];
	[tilespmem:v5+s26+$0x0] =	vst.idx.msk $0xffff, v10;
	v10 =	vadd.f32 v50, v34  }
0xf6: {  	s21 =	sadd.s32 s31, s13;
	s22 =	sor.u32 $0x100, s1;
	v8 =	vld [tilespmem:s12+$0x0];
	[tilespmem:v63+s26+$0x0] =	vst.idx.msk $0xffff, v30  }
0xf7: {  	s0 =	sadd.s32 $0x20, s21;
	v40 =	vld [tilespmem:s22+$0x0];
	[tilespmem:v42+s26+$0x0] =	vst.idx.msk $0xffff, v10  }
0xf8: {  	v19 =	vor.u32 v21, v19;
	s23 =	sadd.s32 s19, s31;
	v54 =	vor.u32 $0x100, v36;
	v2 =	vmul.f32 v2, v24;
	s24 =	sor.u32 $0x100, s0;
	v10 =	vld [tilespmem:$0x1FF90]  }
0xf9: {  	s25 =	sor.u32 $0x100, s23;
	v15 =	vmul.f32 v61, v15;
	v4 =	vor.u32 $0x100, v27;
	v5 =	vld [tilespmem:s24+$0x0];
	v57 =	vmul.f32 v59, v31  }
0xfa: {  	v2 =	vadd.f32 v2, v26;
	v63 =	vor.u32 $0x180, v17;
	v56 =	vld [tilespmem:s25+$0x0];
	v14 =	vmul.f32 v14, v18  }
0xfb: {  	v12 =	vadd.f32 v15, v12;
	v58 =	vld [tilespmem:s7+$0x0];
	v59 =	vor.u32 $0x100, v53;
	v37 =	vadd.f32 v57, v25  }
0xfc: {  	v19 =	vor.u32 $0x180, v19;
	v14 =	vadd.f32 v14, v23;
	v1 =	vmul.f32 v40, v46;
	[tilespmem:v62+s26+$0x0] =	vst.idx.msk $0xffff, v2  }
0xfd: {  	s3 =	sor.u32 $0x180, s17;
	v60 =	vor.u32 $0x100, v52;
	v62 =	vmul.f32 v8, v13;
	[tilespmem:v54+s26+$0x0] =	vst.idx.msk $0xffff, v37;
	v10 =	vor.u32 v3, v10  }
0xfe: {  	v30 =	vld [tilespmem:s3+$0x0];
	v5 =	vmul.f32 v5, v44;
	[tilespmem:v4+s26+$0x0] =	vst.idx.msk $0xffff, v14;
	v1 =	vadd.f32 v1, v51;
	v8 =	vor.u32 $0x100, v10  }
0xff: {  	v39 =	vor.u32 $0x180, v35;
	v61 =	vld [tilespmem:s2+$0x0];
	[tilespmem:v63+s26+$0x0] =	vst.idx.msk $0xffff, v12;
	v37 =	vmul.f32 v56, v41;
	v2 =	vadd.f32 v62, v16  }
0x100: {  	v9 =	vmul.f32 v58, v9;
	v4 =	vld [tilespmem:s9+$0x0];
	v5 =	vadd.f32 v5, v47;
	[tilespmem:v59+s26+$0x0] =	vst.idx.msk $0xffff, v1  }
0x101: {  	s1 =	sor.u32 $0x180, s1;
	v42 =	vld [tilespmem:s10+$0x0];
	v40 =	vadd.f32 v37, v45;
	[tilespmem:v19+s26+$0x0] =	vst.idx.msk $0xffff, v2  }
0x102: {  	v9 =	vadd.f32 v9, v11;
	[tilespmem:v60+s26+$0x0] =	vst.idx.msk $0xffff, v5;
	v5 =	vld [tilespmem:s1+$0x0]  }
0x103: {  	s28 =	sor.u32 $0x180, s23;
	v43 =	vor.u32 $0x180, v0;
	v50 =	vor.u32 v32, v28;
	[tilespmem:v8+s26+$0x0] =	vst.idx.msk $0xffff, v40  }
0x104: {  	v49 =	vmul.f32 v30, v55;
	v56 =	vor.u32 $0x180, v50;
	[tilespmem:v39+s26+$0x0] =	vst.idx.msk $0xffff, v9;
	v57 =	vld [tilespmem:s28+$0x0]  }
0x105: {  	v52 =	vor.u32 $0x180, v33;
	v4 =	vmul.f32 v4, v31;
	v60 =	vld [tilespmem:$0x1FFA0]  }
0x106: {  	s0 =	sor.u32 $0x180, s0;
	v58 =	vor.u32 $0x180, v27;
	v55 =	vadd.f32 v49, v48;
	v54 =	vmul.f32 v61, v22  }
0x107: {  	v1 =	vmul.f32 v42, v18;
	v4 =	vadd.f32 v4, v25;
	v5 =	vmul.f32 v5, v46;
	v8 =	vld [tilespmem:s0+$0x0]  }
0x108: {  	v59 =	vadd.f32 v54, v34;
	[tilespmem:v43+s26+$0x0] =	vst.idx.msk $0xffff, v55  }
0x109: {  	v61 =	vor.u32 $0x180, v10;
	v1 =	vadd.f32 v1, v23;
	[tilespmem:v56+s26+$0x0] =	vst.idx.msk $0xffff, v4;
	v4 =	vadd.f32 v5, v51  }
0x10a: {  	[tilespmem:v52+s26+$0x0] =	vst.idx.msk $0xffff, v59;
	v0 =	vor.u32 v6, v60;
	v6 =	vor.u32 $0x180, v53;
	v5 =	vmul.f32 v57, v41  }
0x10b: {  	s6 =	rddreg [dreg:$0x12];
	[tilespmem:v58+s26+$0x0] =	vst.idx.msk $0xffff, v1;
	v0 =	vor.u32 $0x180, v0  }
0x10c: {  	s29 =	sshll.u32 s6, $0x12;
	s31 =	rddreg [dreg:$0xd];
	v8 =	vmul.f32 v8, v44;
	v63 =	vadd.f32 v5, v45  }
0x10d: {  	s0 =	sadd.s32 s31, s29  }
0x10e: {  	s30 =	rddreg [dreg:$0x3];
	s0 =	sshrl.u32 s0, $0x3;
	v62 =	vadd.f32 v8, v47;
	[tilespmem:v61+s26+$0x0] =	vst.idx.msk $0xffff, v63  }
0x10f: {  	s5 =	simm.s32 $0x80;
	s3 =	simm.s32 $0x8200;
	s0 =	sadd.s32 s30, s0;
	[tilespmem:v6+s26+$0x0] =	vst.idx.msk $0xffff, v4  }
0x110: {  	s2 =	simm.s32 $0x10;
	s1 =	simm.s32 $0x8000;
	s4 =	sadd.s32 $0x0, s0;
	[tilespmem:v0+s26+$0x0] =	vst.idx.msk $0xffff, v62  }
.LBB2_9:
0x111: {  	[hbm4b:s4+s5] =	stream.strided.scatter [tilespmem:s1], [sflag:$0x3], $0x200, s26, s5, $0x38;
	[tilespmem:$0x13000] =	vst v63  }
0x112: {  	s4 =	smov.u32 s2;
	s1 =	smov.u32 s3;
	p0 =	sne.s32 s2, $0x1F0  }
.Ltmp5:
0x113: {  	s2 =	sadd.s32 $0x10, s2;
	(pc) =	sbr.rel @p0 .LBB2_9-.Ltmp5, $2  }
0x114: {  	_ =	sdelay $0x2  }
0x115: {  	s3 =	sadd.s32 $0x200, s3;
	s4 =	sadd.s32 s4, s0  }
0x116: {  	[hbm4b:s4+s5] =	stream.strided.scatter [tilespmem:s1], [sflag:$0x3], $0x200, s26, s5, $0x38;
	[tilespmem:$0x13000] =	vst v63  }
0x117: {  	s0 =	rddreg [dreg:$0xf]  }
0x118: {  	p0 =	seq.s32 s6, $0x3;
	s12 =	rddreg [dreg:$0x13]  }
0x119: {  	s0 =	sadd.s32 @!p0 s12, s0  }
0x11a: {  	s1 =	rddreg [dreg:$0x0];
	s0 =	sshll.u32 @!p0 s0, $0xC  }
0x11b: {  	s25 =	simm.s32 $0x2;
	s2 =	simm.s32 @!p0 $0x400;
	s0 =	sand.u32 @!p0 $0x1FFFF000, s0  }
0x11c: {  	s3 =	simm.s32 @!p0 $0x0;
	s0 =	sadd.s32 @!p0 s1, s0;
	s1 =	simm.s32 @!p0 $0x200  }
0x11d: {  	[tilespmem:s3], [sflag:$0x1] =	stream.strided.gather @!p0 [hbm4b:s0+s1], $0x4000, s2, s1, $0x38;
	[tilespmem:$0x13000] =	vst v63  }
0x11e: {  	_ =	swait.ge [sflag:s25], $0x4000  }
0x11f: {  	[sflag:s25] =	ssyncset.done $0x0  }
0x120: {  	s0 =	simm.s32 @!p1 $0x4;
	[sflag:s25] =	ssyncadd.s32 $0xFFFFC000  }
0x121: {  	_ =	swait.ge @!p1 [sflag:s0], $0x4000  }
0x122: {  	[sflag:s0] =	ssyncset.done @!p1 $0x0  }
0x123: {  	[sflag:s0] =	ssyncadd.s32 @!p1 $0xFFFFC000;
	s0 =	simm.s32 $0x0  }
0x124: {  	s26 =	simm.s32 $0x30;
	s9 =	sand.u32 $0x3E00, s0  }
0x125: {  	s28 =	simm.s32 $0x0;
	s10 =	sand.u32 $0x70, s26;
	s3 =	sor.u32 $0x4000, s9  }
0x126: {  	v20 =	vld [tilespmem:s28+$0x11030];
	s4 =	sor.u32 s10, s3  }
0x127: {  	v0 =	vld [tilespmem:s4+$0x0]  }
0x128: {  	v2 =	vmov s26  }
0x129: {  	v4 =	vor.u32 s26, v7;
	v2 =	vshll.u32 v2, $0x2;
	v22 =	vld [tilespmem:s28+$0x12030]  }
0x12a: {  	v4 =	vand.u32 $0x7F, v4;
	v2 =	vand.u32 $0x3E00, v2  }
0x12b: {  	v23 =	vor.u32 v4, v2  }
0x12c: {  	v0 =	vmul.f32 v0, v20  }
0x12d: {  	v37 =	vld [tilespmem:s28+$0x11000]  }
0x12e: {  	v38 =	vld [tilespmem:s28+$0x11010];
	v0 =	vadd.f32 v0, v22  }
0x12f: {  	s7 =	simm.s32 $0x20;
	s25 =	simm.s32 $0xC000;
	v9 =	vld [tilespmem:s28+$0x11020]  }
0x130: {  	s13 =	simm.s32 $0x10;
	v4 =	vor.u32 s7, v7;
	s11 =	sand.u32 $0x40, s0;
	v21 =	vld [tilespmem:s28+$0x12000];
	[tilespmem:v23+s25+$0x0] =	vst.idx.msk $0xffff, v0  }
0x131: {  	v45 =	vor.u32 s13, v7;
	v41 =	vand.u32 $0x6F, v4;
	v44 =	vmov s0;
	s5 =	sor.u32 s11, s3;
	v4 =	vld [tilespmem:s4+$0x80]  }
0x132: {  	v10 =	vmov s13;
	v6 =	vor.u32 s0, v7;
	v25 =	vshll.u32 v44, $0x2;
	v1 =	vld [tilespmem:s5+$0x0]  }
0x133: {  	s8 =	sand.u32 $0x50, s13;
	v10 =	vshll.u32 v10, $0x2;
	v17 =	vld [tilespmem:s28+$0x12010];
	v24 =	vand.u32 $0x4F, v6;
	v6 =	vand.u32 $0x3E00, v25  }
0x134: {  	s16 =	simm.s32 $0x100;
	v2 =	vand.u32 $0x5F, v45;
	v12 =	vld [tilespmem:s28+$0x12020];
	s9 =	sand.u32 $0x60, s7;
	s8 =	sor.u32 s8, s3;
	v46 =	vor.u32 v24, v6;
	v6 =	vand.u32 $0x3E00, v10  }
0x135: {  	s17 =	simm.s32 $0x70;
	s18 =	simm.s32 $0x40;
	s14 =	sor.u32 s9, s3;
	v5 =	vld [tilespmem:s8+$0x0];
	v39 =	vor.u32 v2, v6;
	v6 =	vor.u32 $0x80, v23  }
0x136: {  	s24 =	simm.s32 $0x40;
	s15 =	sand.u32 $0x7, s0;
	s3 =	sand.u32 $0x3E00, s16;
	v8 =	vld [tilespmem:s14+$0x0];
	v50 =	vmul.f32 v4, v20  }
0x137: {  	v11 =	vmov s7;
	s20 =	sand.u32 $0x70, s17;
	v31 =	vld [tilespmem:s18+$0x11030];
	s2 =	sshll.u32 s15, $0x4;
	s19 =	sor.u32 $0x4000, s3;
	v1 =	vmul.f32 v1, v37  }
0x138: {  	s26 =	sand.u32 $0x40, s24;
	v40 =	vshll.u32 v11, $0x2;
	v36 =	vld [tilespmem:s18+$0x12030];
	s2 =	sadd.s32 $0x0, s2;
	s22 =	sor.u32 s20, s19;
	v51 =	vadd.f32 v50, v22  }
0x139: {  	v47 =	vand.u32 $0x3E00, v40;
	s21 =	sadd.s32 $0x30, s2;
	s3 =	sor.u32 s26, s19;
	v53 =	vld [tilespmem:s22+$0x0];
	v1 =	vadd.f32 v1, v21  }
0x13a: {  	v26 =	vor.u32 v41, v47;
	s23 =	sor.u32 $0x100, s21;
	v13 =	vld [tilespmem:s3+$0x0];
	v5 =	vmul.f32 v5, v38;
	[tilespmem:v6+s25+$0x0] =	vst.idx.msk $0xffff, v51  }
0x13b: {  	v48 =	vmul.f32 v8, v9;
	v8 =	vmov s17;
	[tilespmem:v46+s25+$0x0] =	vst.idx.msk $0xffff, v1;
	v6 =	vld [tilespmem:s23+$0x4000]  }
0x13c: {  	v10 =	vor.u32 s17, v7;
	v11 =	vshll.u32 v8, $0x2;
	v5 =	vadd.f32 v5, v17;
	v4 =	vld [tilespmem:s5+$0x80]  }
0x13d: {  	v10 =	vand.u32 $0x7F, v10;
	v8 =	vld [tilespmem:s18+$0x11000];
	v49 =	vadd.f32 v48, v12;
	v11 =	vand.u32 $0x3E00, v11  }
0x13e: {  	v14 =	vor.u32 s24, v7;
	s28 =	simm.s32 $0x50;
	v35 =	vor.u32 v10, v11;
	v11 =	vld [tilespmem:s18+$0x11010];
	[tilespmem:v39+s25+$0x0] =	vst.idx.msk $0xffff, v5  }
0x13f: {  	v18 =	vmov s24;
	v16 =	vor.u32 $0x100, v23;
	s13 =	sand.u32 $0x50, s28;
	[tilespmem:v26+s25+$0x0] =	vst.idx.msk $0xffff, v49;
	v1 =	vmul.f32 v53, v31;
	v5 =	vld [tilespmem:s8+$0x80]  }
0x140: {  	v42 =	vand.u32 $0x4F, v14;
	v0 =	vor.u32 $0x80, v46;
	v52 =	vld [tilespmem:s14+$0x80];
	s4 =	sor.u32 s13, s19;
	v6 =	vmul.f32 v6, v20  }
0x141: {  	v43 =	vshll.u32 v18, $0x2;
	s10 =	simm.s32 $0x60;
	v27 =	vld [tilespmem:s4+$0x0];
	v1 =	vadd.f32 v1, v36;
	v4 =	vmul.f32 v4, v37  }
0x142: {  	v29 =	vor.u32 $0x80, v26;
	v54 =	vor.u32 s28, v7;
	s11 =	sand.u32 $0x60, s10;
	v6 =	vadd.f32 v6, v22  }
0x143: {  	v14 =	vld [tilespmem:s18+$0x12000];
	v19 =	vmov s28;
	s1 =	sor.u32 s11, s19;
	v15 =	vor.u32 $0x80, v39;
	[tilespmem:v35+s25+$0x0] =	vst.idx.msk $0xffff, v1;
	v4 =	vadd.f32 v4, v21  }
0x144: {  	v28 =	vld [tilespmem:s1+$0x0];
	v30 =	vmul.f32 v13, v8;
	v5 =	vmul.f32 v5, v38;
	[tilespmem:v16+s25+$0x0] =	vst.idx.msk $0xffff, v6;
	v6 =	vand.u32 $0x3E00, v43  }
0x145: {  	v19 =	vshll.u32 v19, $0x2;
	v13 =	vld [tilespmem:s18+$0x12010];
	v2 =	vmul.f32 v52, v9;
	[tilespmem:v0+s25+$0x0] =	vst.idx.msk $0xffff, v4;
	v4 =	vor.u32 v42, v6  }
0x146: {  	s0 =	sand.u32 $0x3, s0;
	v1 =	vand.u32 $0x5F, v54;
	v32 =	vld [tilespmem:s22+$0x80];
	v56 =	vmul.f32 v27, v11;
	v5 =	vadd.f32 v5, v17  }
0x147: {  	p1 =	por $0x0, $0x0;
	s0 =	sshll.u32 s0, $0x5;
	s6 =	sor.u32 $0x180, s21;
	v10 =	vld [tilespmem:s18+$0x11020];
	v2 =	vadd.f32 v2, v12;
	v16 =	vmov s10;
	v6 =	vand.u32 $0x3E00, v19  }
0x148: {  	s0 =	sadd.s32 $0x0, s0;
	s2 =	sadd.s32 $0x10, s2;
	s8 =	simm.s32 $0x1;
	v27 =	vadd.f32 v30, v14;
	[tilespmem:v15+s25+$0x0] =	vst.idx.msk $0xffff, v5;
	v55 =	vld [tilespmem:s6+$0x4000];
	v19 =	vshll.u32 v16, $0x2;
	v16 =	vor.u32 v1, v6  }
0x149: {  	v18 =	vor.u32 s10, v7;
	s16 =	sadd.s32 $0x20, s0;
	s17 =	sor.u32 $0x100, s2;
	s8 =	simm.s32 @!p1 $0x0;
	v15 =	vld [tilespmem:s18+$0x12020];
	[tilespmem:v29+s25+$0x0] =	vst.idx.msk $0xffff, v2  }
0x14a: {  	v18 =	vand.u32 $0x6F, v18;
	s19 =	sor.u32 $0x100, s16;
	s14 =	sshll.u32 s8, $0x6;
	s18 =	simm.s32 $0x4;
	v57 =	vand.u32 $0x3E00, v19;
	v6 =	vor.u32 $0x80, v35;
	[tilespmem:v4+s25+$0x0] =	vst.idx.msk $0xffff, v27  }
0x14b: {  	s7 =	sadd.s32 $0x0, s14;
	v29 =	vmul.f32 v32, v31;
	v58 =	vld [tilespmem:s17+$0x4000];
	s20 =	sand.u32 $0x7, s18;
	v1 =	vadd.f32 v56, v13;
	v44 =	vor.u32 v18, v57;
	s21 =	rddreg [dreg:$0x6]  }
0x14c: {  	v28 =	vmul.f32 v28, v10;
	s15 =	sor.u32 $0x100, s7;
	v30 =	vld [tilespmem:s19+$0x4000];
	s0 =	sshll.u32 s20, $0x4;
	s6 =	sadd.s32 s12, s21  }
0x14d: {  	s0 =	sadd.s32 $0x100, s0;
	v5 =	vld [tilespmem:s15+$0x4000];
	v0 =	vmul.f32 v55, v20;
	v20 =	vadd.f32 v29, v36;
	[tilespmem:v16+s25+$0x0] =	vst.idx.msk $0xffff, v1;
	s22 =	sadd.s32 $0x4, s6  }
0x14e: {  	v45 =	vor.u32 v25, v24;
	s8 =	sadd.s32 $0x30, s0;
	v27 =	vadd.f32 v28, v15;
	v28 =	vld [tilespmem:s3+$0x80];
	[dreg:$0x14] =	wrdreg s22  }
0x14f: {  	s9 =	simm.s32 $0x80;
	v24 =	vor.u32 $0x100, v45;
	s26 =	simm.s32 $0xB0;
	s23 =	sor.u32 $0x100, s8;
	v1 =	vld [tilespmem:s4+$0x80];
	[tilespmem:v6+s25+$0x0] =	vst.idx.msk $0xffff, v20  }
0x150: {  	v60 =	vor.u32 s9, v7;
	v59 =	vmov s26;
	v0 =	vadd.f32 v0, v22;
	[tilespmem:v44+s25+$0x0] =	vst.idx.msk $0xffff, v27;
	v22 =	vld [tilespmem:s23+$0x4000]  }
0x151: {  	s24 =	simm.s32 $0x200;
	v33 =	vor.u32 s26, v7;
	v25 =	vmul.f32 v30, v9;
	v6 =	vor.u32 $0x180, v23;
	v23 =	vld [tilespmem:s1+$0x80];
	s1 =	simm.s32 $0x80  }
0x152: {  	v33 =	vand.u32 $0x7F, v33;
	v46 =	vor.u32 $0x100, v26;
	p1 =	por !p1, !p1;
	v32 =	vshll.u32 v59, $0x2;
	s4 =	sand.u32 $0x3E00, s24;
	v20 =	vld [tilespmem:s1+$0x11000]  }
0x153: {  	s14 =	sor.u32 $0x180, s16;
	s17 =	sand.u32 $0x70, s26;
	v32 =	vand.u32 $0x3E00, v32;
	v47 =	vadd.f32 v25, v12;
	v5 =	vmul.f32 v5, v37;
	s28 =	sor.u32 $0x4000, s4;
	v25 =	vld [tilespmem:s1+$0x11030]  }
0x154: {  	s18 =	sand.u32 $0x40, s9;
	s19 =	simm.s32 $0x2;
	v32 =	vor.u32 v33, v32;
	v2 =	vmul.f32 v58, v38;
	v26 =	vmul.f32 v28, v8;
	s5 =	sor.u32 s17, s28;
	v28 =	vld [tilespmem:s1+$0x12030]  }
0x155: {  	s20 =	simm.s32 $0x90;
	v33 =	vand.u32 $0x4F, v60;
	v30 =	vor.u32 $0x100, v35;
	s15 =	simm.s32 $0xA0;
	v5 =	vadd.f32 v5, v21;
	s6 =	sor.u32 s18, s28;
	v29 =	vld [tilespmem:s5+$0x0]  }
0x156: {  	s11 =	sand.u32 $0x3, s19;
	s13 =	sand.u32 $0x50, s20;
	s0 =	sadd.s32 $0x10, s0;
	v2 =	vadd.f32 v2, v17;
	v56 =	vmov s15;
	v34 =	vld [tilespmem:s6+$0x0];
	v22 =	vmul.f32 v22, v31  }
0x157: {  	s16 =	sand.u32 $0x60, s15;
	v48 =	vor.u32 $0x80, v16;
	v49 =	vor.u32 $0x80, v44;
	v4 =	vor.u32 $0x80, v4;
	s3 =	sor.u32 $0x180, s7;
	[tilespmem:v24+s25+$0x0] =	vst.idx.msk $0xffff, v5;
	s13 =	sor.u32 s13, s28;
	v24 =	vld [tilespmem:s1+$0x12000]  }
0x158: {  	s12 =	simm.s32 $0x1;
	v27 =	vor.u32 $0x100, v39;
	s17 =	sshll.u32 s11, $0x5;
	s11 =	sor.u32 s16, s28;
	v50 =	vld [tilespmem:s13+$0x0];
	v1 =	vmul.f32 v1, v11;
	v22 =	vadd.f32 v22, v36  }
0x159: {  	s7 =	sor.u32 $0x180, s2;
	s12 =	simm.s32 @!p1 $0x0;
	p1 =	por !p1, !p1;
	v5 =	vor.u32 s20, v7;
	v51 =	vadd.f32 v26, v14;
	v52 =	vld [tilespmem:s11+$0x0];
	v26 =	vmul.f32 v23, v10  }
0x15a: {  	s21 =	sshll.u32 s12, $0x6;
	s12 =	simm.s32 $0x1;
	s23 =	sor.u32 $0x180, s8;
	v5 =	vand.u32 $0x5F, v5;
	v23 =	vld [tilespmem:s1+$0x11010];
	v1 =	vadd.f32 v1, v13;
	v29 =	vmul.f32 v29, v25;
	[tilespmem:v30+s25+$0x0] =	vst.idx.msk $0xffff, v22  }
0x15b: {  	s10 =	sadd.s32 $0x100, s21;
	s12 =	simm.s32 @!p1 $0x0;
	p1 =	por !p1, !p1;
	[tilespmem:v6+s25+$0x0] =	vst.idx.msk $0xffff, v0;
	v53 =	vadd.f32 v26, v15;
	v61 =	vmul.f32 v34, v20;
	v22 =	vmov s9;
	v54 =	vld [tilespmem:s23+$0x4000]  }
0x15c: {  	s24 =	sor.u32 $0x100, s10;
	s19 =	sshll.u32 s12, $0x6;
	s4 =	sor.u32 $0x180, s0;
	[tilespmem:v48+s25+$0x0] =	vst.idx.msk $0xffff, v1;
	v48 =	vor.u32 $0x180, v35;
	v6 =	vadd.f32 v29, v28;
	v34 =	vshll.u32 v22, $0x2;
	v22 =	vld [tilespmem:s1+$0x11020]  }
0x15d: {  	s8 =	simm.s32 $0xD0;
	s16 =	sor.u32 $0x180, s10;
	s22 =	sadd.s32 $0x100, s17;
	[tilespmem:v27+s25+$0x0] =	vst.idx.msk $0xffff, v2;
	v26 =	vld [tilespmem:s1+$0x12010];
	v29 =	vor.u32 s15, v7;
	v30 =	vmov s20;
	v0 =	vadd.f32 v61, v24  }
0x15e: {  	s28 =	simm.s32 $0x4;
	s2 =	sadd.s32 $0x20, s22;
	s22 =	sadd.s32 $0x200, s19;
	v27 =	vld [tilespmem:s1+$0x12020];
	v62 =	vshll.u32 v30, $0x2;
	v30 =	vshll.u32 v56, $0x2;
	v55 =	vand.u32 $0x3E00, v34;
	[tilespmem:v32+s25+$0x0] =	vst.idx.msk $0xffff, v6  }
0x15f: {  	s18 =	sand.u32 $0x3, s28;
	s26 =	sor.u32 $0x100, s2;
	[tilespmem:v4+s25+$0x0] =	vst.idx.msk $0xffff, v51;
	s12 =	sor.u32 $0x180, s22;
	v29 =	vand.u32 $0x6F, v29;
	v57 =	vand.u32 $0x3E00, v30;
	v63 =	vld [tilespmem:s5+$0x80];
	v4 =	vor.u32 v33, v55  }
0x160: {  	s9 =	sor.u32 $0x180, s2;
	s2 =	sshll.u32 s18, $0x5;
	s20 =	sor.u32 $0x100, s0;
	v61 =	vld [tilespmem:s3+$0x4000];
	v6 =	vmul.f32 v50, v23;
	v2 =	vand.u32 $0x3E00, v62;
	v35 =	vor.u32 v29, v57  }
0x161: {  	s0 =	sor.u32 $0x100, s22;
	s18 =	simm.s32 $0x6;
	s3 =	simm.s32 $0x1;
	v56 =	vmul.f32 v54, v31;
	v31 =	vor.u32 v5, v2;
	v5 =	vld [tilespmem:s24+$0x4000];
	v58 =	vmul.f32 v52, v22  }
0x162: {  	[tilespmem:v49+s25+$0x0] =	vst.idx.msk $0xffff, v53;
	s21 =	sadd.s32 $0x200, s2;
	s2 =	simm.s32 $0xC0;
	v59 =	vld [tilespmem:s20+$0x4000];
	s1 =	simm.s32 $0x8;
	v6 =	vadd.f32 v6, v26  }
0x163: {  	[tilespmem:v46+s25+$0x0] =	vst.idx.msk $0xffff, v47;
	v46 =	vor.u32 $0x80, v32;
	v60 =	vld [tilespmem:s26+$0x4000];
	s3 =	simm.s32 @!p1 $0x0;
	s20 =	sand.u32 $0x3, s18;
	s23 =	sadd.s32 $0x20, s21;
	v1 =	vadd.f32 v56, v36;
	v62 =	vadd.f32 v58, v27  }
0x164: {  	s29 =	sand.u32 $0x40, s2;
	s21 =	simm.s32 $0x300;
	s31 =	sor.u32 $0x100, s23;
	v50 =	vmul.f32 v63, v25;
	v36 =	vor.u32 v43, v42;
	[tilespmem:v4+s25+$0x0] =	vst.idx.msk $0xffff, v0  }
0x165: {  	s10 =	sor.u32 $0x180, s23;
	s5 =	simm.s32 $0xE0;
	s24 =	sand.u32 $0x7, s1;
	v42 =	vor.u32 $0x180, v45;
	v45 =	vld [tilespmem:s7+$0x4000];
	v49 =	vor.u32 $0x100, v36;
	[tilespmem:v35+s25+$0x0] =	vst.idx.msk $0xffff, v62  }
0x166: {  	v47 =	vor.u32 $0x180, v39;
	s23 =	sand.u32 $0x50, s8;
	s15 =	sshll.u32 s24, $0x4;
	s24 =	simm.s32 $0xF0;
	v55 =	vld [tilespmem:s6+$0x80];
	[tilespmem:v31+s25+$0x0] =	vst.idx.msk $0xffff, v6;
	v6 =	vadd.f32 v50, v28;
	v5 =	vmul.f32 v5, v8  }
0x167: {  	v51 =	vor.u32 $0x100, v16;
	v2 =	vmul.f32 v59, v11;
	s7 =	sand.u32 $0x60, s5;
	s15 =	sadd.s32 $0x200, s15;
	v63 =	vor.u32 v41, v40;
	s6 =	sshll.u32 s3, $0x6;
	[tilespmem:v48+s25+$0x0] =	vst.idx.msk $0xffff, v1;
	v48 =	vld [tilespmem:s14+$0x4000]  }
0x168: {  	v57 =	vor.u32 $0x100, v44;
	s3 =	sadd.s32 $0x30, s15;
	s26 =	sadd.s32 $0x10, s15;
	s15 =	sshll.u32 s20, $0x5;
	v53 =	vld [tilespmem:s13+$0x80];
	[tilespmem:v46+s25+$0x0] =	vst.idx.msk $0xffff, v6;
	v5 =	vadd.f32 v5, v14;
	v6 =	vmul.f32 v60, v10  }
0x169: {  	v52 =	vadd.f32 v2, v13;
	v56 =	vor.u32 $0x80, v4;
	s17 =	sor.u32 $0x100, s26;
	s19 =	sor.u32 $0x180, s26;
	s28 =	sor.u32 $0x100, s3;
	v54 =	vld [tilespmem:s11+$0x80];
	v60 =	vmul.f32 v61, v37  }
0x16a: {  	v40 =	vor.u32 $0x180, v63;
	s14 =	simm.s32 $0x100;
	s11 =	simm.s32 $0xC0;
	s13 =	sand.u32 $0x3E00, s21;
	v59 =	vmul.f32 v45, v38;
	v58 =	vld [tilespmem:s28+$0x4000];
	[tilespmem:v49+s25+$0x0] =	vst.idx.msk $0xffff, v5;
	v61 =	vadd.f32 v6, v15  }
.LBB2_11:
0x16b: {  	p2 =	slt.u32 s14, $0xFC0  }
0x16c: {  	v37 =	vld [tilespmem:s11+$0x11000];
	s20 =	sor.u32 $0x4000, s13;
	s22 =	sand.u32 $0x70, s24;
	v0 =	vmul.f32 v55, v20;
	v1 =	vor.u32 $0x80, v31;
	[tilespmem:v51+s25+$0x0] =	vst.idx.msk $0xffff, v52;
	v2 =	vadd.f32 v60, v21;
	s26 =	simm.s32 $0xC000  }
0x16d: {  	v6 =	vor.u32 $0x80, v35;
	s25 =	sor.u32 s29, s20;
	s13 =	sor.u32 s23, s20;
	v4 =	vld [tilespmem:s11+$0x11030];
	s23 =	sor.u32 s22, s20;
	v5 =	vmul.f32 v53, v23;
	[tilespmem:v57+s26+$0x0] =	vst.idx.msk $0xffff, v61;
	v17 =	vadd.f32 v59, v17  }
0x16e: {  	s6 =	sadd.s32 s6, s21;
	v41 =	vor.u32 $0x100, v32;
	s22 =	sadd.s32 s21, s15;
	s15 =	sor.u32 s7, s20;
	v39 =	vld [tilespmem:s23+$0x0];
	v0 =	vadd.f32 v0, v24;
	v3 =	vmul.f32 v54, v22;
	[tilespmem:v42+s26+$0x0] =	vst.idx.msk $0xffff, v2  }
0x16f: {  	v38 =	vmovc v11;
	s7 =	sor.u32 $0x100, s6;
	s20 =	sor.u32 $0x180, s6;
	s6 =	sadd.s32 $0x20, s22;
	v42 =	vmov s24;
	v2 =	vld [tilespmem:s25+$0x0];
	v5 =	vadd.f32 v5, v26;
	v43 =	vmul.f32 v58, v25;
	[tilespmem:v47+s26+$0x0] =	vst.idx.msk $0xffff, v17  }
0x170: {  	v11 =	vmovc v23;
	s22 =	sor.u32 $0x100, s6;
	s28 =	sor.u32 $0x180, s6;
	v17 =	vor.u32 s24, v7;
	v42 =	vshll.u32 v42, $0x2;
	s6 =	smov.u32 s16;
	v44 =	vld [tilespmem:s11+$0x12030];
	[tilespmem:v56+s26+$0x0] =	vst.idx.msk $0xffff, v0;
	v0 =	vadd.f32 v3, v27  }
0x171: {  	v21 =	vmovc v14;
	s16 =	smov.u32 s12;
	s12 =	smov.u32 s20;
	s24 =	smov.u32 s31;
	v17 =	vand.u32 $0x7F, v17;
	v23 =	vand.u32 $0x3E00, v42;
	v45 =	vld [tilespmem:s13+$0x0];
	[tilespmem:v1+s26+$0x0] =	vst.idx.msk $0xffff, v5;
	v1 =	vadd.f32 v43, v28  }
0x172: {  	s31 =	smov.u32 s22;
	s22 =	smov.u32 s9;
	s9 =	smov.u32 s10;
	v5 =	vor.u32 s2, v7;
	v43 =	vor.u32 v17, v23;
	v42 =	vld [tilespmem:s15+$0x0];
	[tilespmem:v6+s26+$0x0] =	vst.idx.msk $0xffff, v0;
	v0 =	vmul.f32 v48, v9  }
0x173: {  	s10 =	smov.u32 s28;
	v6 =	vmov s2;
	v5 =	vand.u32 $0x4F, v5;
	s2 =	sor.u32 $0x180, s3;
	v9 =	vmovc v10;
	v10 =	vmovc v22;
	s3 =	smov.u32 s4;
	v23 =	vld [tilespmem:s11+$0x11010];
	v39 =	vmul.f32 v39, v4;
	[tilespmem:v41+s26+$0x0] =	vst.idx.msk $0xffff, v1  }
0x174: {  	v14 =	vmovc v24;
	s4 =	smov.u32 s19;
	v17 =	vmovc v13;
	v1 =	vmul.f32 v2, v37;
	v2 =	vshll.u32 v6, $0x2;
	v6 =	vld [tilespmem:s2+$0x4000];
	v3 =	vadd.f32 v0, v12;
	s2 =	smov.u32 s14  }
0x175: {  	v50 =	vor.u32 s8, v7;
	v46 =	vmovc v18;
	v41 =	vor.u32 s5, v7;
	v13 =	vmovc v26;
	v22 =	vld [tilespmem:s11+$0x11020];
	v39 =	vadd.f32 v39, v44  }
0x176: {  	v49 =	vmov s5;
	v18 =	vmovc v29;
	v48 =	vmov s8;
	v47 =	vand.u32 $0x3E00, v2;
	v24 =	vld [tilespmem:s11+$0x12000];
	[tilespmem:v40+s26+$0x0] =	vst.idx.msk $0xffff, v3;
	v0 =	vmovc v19  }
0x177: {  	v48 =	vshll.u32 v48, $0x2;
	v29 =	vand.u32 $0x6F, v41;
	v12 =	vmovc v15;
	v40 =	vand.u32 $0x5F, v50;
	v19 =	vmovc v30;
	v26 =	vld [tilespmem:s11+$0x12010];
	[tilespmem:v43+s26+$0x0] =	vst.idx.msk $0xffff, v39  }
0x178: {  	v15 =	vmovc v27;
	v30 =	vshll.u32 v49, $0x2;
	v39 =	vmul.f32 v45, v23;
	v41 =	vld [tilespmem:s23+$0x80];
	v45 =	vor.u32 $0x180, v32;
	v32 =	vmovc v43  }
0x179: {  	v43 =	vor.u32 v5, v47;
	v47 =	vand.u32 $0x3E00, v48;
	v27 =	vld [tilespmem:s11+$0x12020];
	v6 =	vmul.f32 v6, v25;
	v25 =	vmovc v4;
	v4 =	vmovc v16  }
0x17a: {  	v48 =	vand.u32 $0x3E00, v30;
	v16 =	vmovc v31;
	v31 =	vor.u32 v40, v47;
	v40 =	vmovc v35;
	v42 =	vmul.f32 v42, v22;
	v49 =	vld [tilespmem:s0+$0x4000];
	s0 =	smov.u32 s7  }
0x17b: {  	p1 =	por !p1, !p1;
	s18 =	sadd.s32 $0x2, s18;
	v35 =	vor.u32 v29, v48;
	v1 =	vadd.f32 v1, v24;
	v47 =	vld [tilespmem:s17+$0x4000];
	v6 =	vadd.f32 v6, v28;
	v28 =	vmovc v44  }
0x17c: {  	s1 =	sadd.s32 $0x4, s1;
	s29 =	sand.u32 $0x40, s14;
	s8 =	sadd.s32 $0x10, s14;
	v50 =	vmov v36;
	v44 =	vor.u32 $0x80, v32;
	v39 =	vadd.f32 v39, v26;
	v48 =	vld [tilespmem:s24+$0x4000]  }
0x17d: {  	s5 =	sadd.s32 $0x20, s14;
	v36 =	vor.u32 v34, v33;
	v33 =	vmov v5;
	s7 =	sand.u32 $0x7, s1;
	v41 =	vmul.f32 v41, v25;
	[tilespmem:v45+s26+$0x0] =	vst.idx.msk $0xffff, v6;
	v6 =	vld [tilespmem:s6+$0x4000];
	s6 =	simm.s32 $0x1  }
0x17e: {  	v34 =	vmovc v2;
	v5 =	vor.u32 $0x100, v36;
	s11 =	sand.u32 $0x3, s18;
	s17 =	sshll.u32 s7, $0x4;
	s6 =	simm.s32 @!p1 $0x0;
	[tilespmem:v43+s26+$0x0] =	vst.idx.msk $0xffff, v1;
	v1 =	vadd.f32 v42, v27;
	v42 =	vor.u32 $0x180, v50;
	v45 =	vld [tilespmem:s3+$0x4000]  }
0x17f: {  	s23 =	sand.u32 $0x50, s8;
	v55 =	vld [tilespmem:s25+$0x80];
	s25 =	simm.s32 $0xC000  }
.Ltmp6:
0x180: {  	v51 =	vor.u32 $0x100, v16;
	s7 =	sand.u32 $0x60, s5;
	s17 =	sadd.s32 s21, s17;
	v2 =	vadd.f32 v41, v28;
	[tilespmem:v31+s25+$0x0] =	vst.idx.msk $0xffff, v39;
	v39 =	vmul.f32 v49, v20;
	(pc) =	sbr.rel @p2 .LBB2_11-.Ltmp6, $4  }
0x181: {  	v0 =	vor.u32 v46, v0;
	v57 =	vor.u32 $0x100, v40;
	s3 =	sadd.s32 $0x30, s17;
	s6 =	sshll.u32 s6, $0x6;
	v53 =	vld [tilespmem:s13+$0x80];
	s13 =	sadd.s32 $0x10, s17;
	[tilespmem:v35+s25+$0x0] =	vst.idx.msk $0xffff, v1;
	v1 =	vmul.f32 v47, v11  }
0x182: {  	v40 =	vor.u32 $0x180, v0;
	s17 =	sor.u32 $0x100, s13;
	s19 =	sor.u32 $0x180, s13;
	v54 =	vld [tilespmem:s15+$0x80];
	[tilespmem:v44+s25+$0x0] =	vst.idx.msk $0xffff, v2;
	s13 =	sor.u32 $0x100, s3;
	v2 =	vadd.f32 v39, v14;
	v39 =	vmul.f32 v48, v10  }
0x183: {  	s24 =	sadd.s32 $0x30, s14;
	s21 =	sadd.s32 $0x100, s21;
	v47 =	vor.u32 $0x180, v4;
	s15 =	sshll.u32 s11, $0x5;
	v60 =	vmul.f32 v6, v8;
	v8 =	vmovc v20;
	v20 =	vmovc v37;
	v58 =	vld [tilespmem:s13+$0x4000];
	v52 =	vadd.f32 v1, v13  }
0x184: {  	v56 =	vor.u32 $0x80, v43;
	s14 =	sadd.s32 $0x40, s14;
	s11 =	sshra.s32 s21, $0x2;
	s13 =	sand.u32 $0x3E00, s21;
	v59 =	vmul.f32 v45, v38;
	[tilespmem:v5+s25+$0x0] =	vst.idx.msk $0xffff, v2;
	v61 =	vadd.f32 v39, v15;
	v48 =	vld [tilespmem:s22+$0x4000]  }
0x185: {  	v45 =	vld [tilespmem:s11+$0x11000];
	s13 =	sor.u32 $0x4000, s13;
	s14 =	sand.u32 $0x70, s24  }
0x186: {  	v43 =	vld [tilespmem:s11+$0x11030];
	s14 =	sor.u32 s14, s13  }
0x187: {  	v0 =	vld [tilespmem:s14+$0x0]  }
0x188: {  	v2 =	vmov s24;
	v39 =	vld [tilespmem:s11+$0x12030];
	s18 =	sor.u32 s29, s13  }
0x189: {  	v4 =	vor.u32 s24, v7;
	v2 =	vshll.u32 v2, $0x2;
	v1 =	vld [tilespmem:s18+$0x0]  }
0x18a: {  	v38 =	vld [tilespmem:s11+$0x11010];
	v4 =	vand.u32 $0x7F, v4;
	v2 =	vand.u32 $0x3E00, v2  }
0x18b: {  	v6 =	vor.u32 s2, v7;
	v44 =	vmov s2;
	v41 =	vld [tilespmem:s11+$0x11020];
	s20 =	sor.u32 s23, s13;
	v50 =	vor.u32 v4, v2  }
0x18c: {  	v49 =	vmov s5;
	s7 =	sor.u32 s7, s13;
	v44 =	vshll.u32 v44, $0x2;
	v37 =	vld [tilespmem:s20+$0x0];
	v0 =	vmul.f32 v0, v43  }
0x18d: {  	v63 =	vor.u32 s5, v7;
	v3 =	vand.u32 $0x4F, v6;
	v49 =	vshll.u32 v49, $0x2;
	v62 =	vld [tilespmem:s7+$0x0];
	[tilespmem:$0x1FF70] =	vst v44  }
0x18e: {  	v4 =	vmov s8;
	v46 =	vld [tilespmem:s11+$0x12000];
	v5 =	vmul.f32 v1, v45;
	v1 =	vadd.f32 v0, v39  }
0x18f: {  	v2 =	vor.u32 s8, v7;
	v6 =	vmovc v45;
	v45 =	vand.u32 $0x3E00, v44;
	v44 =	vld [tilespmem:s11+$0x12010];
	v0 =	vshll.u32 v4, $0x2  }
0x190: {  	v2 =	vand.u32 $0x5F, v2;
	v4 =	vld [tilespmem:s11+$0x12020];
	v0 =	vand.u32 $0x3E00, v0;
	[tilespmem:v50+s25+$0x0] =	vst.idx.msk $0xffff, v1;
	v1 =	vor.u32 v3, v45  }
0x191: {  	[tilespmem:v51+s25+$0x0] =	vst.idx.msk $0xffff, v52;
	v52 =	vand.u32 $0x6F, v63;
	v51 =	vor.u32 v2, v0;
	v0 =	vand.u32 $0x3E00, v49  }
0x192: {  	v2 =	vadd.f32 v60, v21;
	v60 =	vmul.f32 v37, v38;
	v45 =	vld [tilespmem:s14+$0x80];
	v0 =	vor.u32 v52, v0  }
0x193: {  	[tilespmem:v57+s25+$0x0] =	vst.idx.msk $0xffff, v61;
	v63 =	vmul.f32 v62, v41;
	v5 =	vadd.f32 v5, v46;
	v37 =	vor.u32 $0x100, v32  }
0x194: {  	[tilespmem:v42+s25+$0x0] =	vst.idx.msk $0xffff, v2;
	v2 =	vmul.f32 v58, v25;
	v21 =	vadd.f32 v60, v44  }
0x195: {  	v42 =	vmul.f32 v55, v20;
	[tilespmem:v1+s25+$0x0] =	vst.idx.msk $0xffff, v5;
	v5 =	vadd.f32 v63, v4  }
0x196: {  	v53 =	vmul.f32 v53, v23;
	v58 =	vor.u32 $0x80, v31;
	v2 =	vadd.f32 v2, v28;
	[tilespmem:v51+s25+$0x0] =	vst.idx.msk $0xffff, v21;
	v57 =	vld [tilespmem:s18+$0x80]  }
0x197: {  	v60 =	vor.u32 $0x80, v35;
	v42 =	vadd.f32 v42, v24;
	v45 =	vmul.f32 v45, v43;
	v21 =	vld [tilespmem:s20+$0x80];
	[tilespmem:v0+s25+$0x0] =	vst.idx.msk $0xffff, v5  }
0x198: {  	s13 =	sor.u32 $0x180, s3;
	v17 =	vadd.f32 v59, v17;
	v55 =	vor.u32 $0x80, v50;
	[tilespmem:v37+s25+$0x0] =	vst.idx.msk $0xffff, v2;
	v2 =	vmul.f32 v54, v22;
	v5 =	vld [tilespmem:s7+$0x80]  }
0x199: {  	[tilespmem:v56+s25+$0x0] =	vst.idx.msk $0xffff, v42;
	v56 =	vadd.f32 v53, v26;
	v54 =	vadd.f32 v45, v39;
	v45 =	vld [tilespmem:s13+$0x4000]  }
0x19a: {  	[tilespmem:v47+s25+$0x0] =	vst.idx.msk $0xffff, v17;
	v9 =	vmul.f32 v48, v9;
	v1 =	vor.u32 $0x80, v1;
	v2 =	vadd.f32 v2, v27  }
0x19b: {  	s1 =	sadd.s32 $0x4, s1;
	v59 =	vor.u32 $0x80, v51;
	[tilespmem:v58+s25+$0x0] =	vst.idx.msk $0xffff, v56;
	v58 =	vmul.f32 v57, v6  }
0x19c: {  	s1 =	sand.u32 $0x7, s1;
	v61 =	vor.u32 $0x80, v0;
	[tilespmem:v60+s25+$0x0] =	vst.idx.msk $0xffff, v2;
	v2 =	vadd.f32 v9, v12;
	v60 =	vmul.f32 v21, v38  }
0x19d: {  	s1 =	sshll.u32 s1, $0x4;
	v62 =	vor.u32 $0x180, v32;
	[tilespmem:v55+s25+$0x0] =	vst.idx.msk $0xffff, v54;
	v63 =	vadd.f32 v58, v46;
	v5 =	vmul.f32 v5, v41  }
0x19e: {  	s1 =	sadd.s32 s21, s1;
	[tilespmem:v40+s25+$0x0] =	vst.idx.msk $0xffff, v2;
	v2 =	vmul.f32 v45, v25;
	v9 =	vadd.f32 v60, v44  }
0x19f: {  	v47 =	vld [tilespmem:s16+$0x4000];
	s14 =	sadd.s32 $0x30, s1;
	[tilespmem:v1+s25+$0x0] =	vst.idx.msk $0xffff, v63;
	v5 =	vadd.f32 v5, v4  }
0x1a0: {  	s18 =	sor.u32 $0x100, s14;
	v37 =	vld [tilespmem:s0+$0x4000];
	v2 =	vadd.f32 v2, v28;
	[tilespmem:v59+s25+$0x0] =	vst.idx.msk $0xffff, v9  }
0x1a1: {  	v48 =	vld [tilespmem:s18+$0x4000];
	[tilespmem:v61+s25+$0x0] =	vst.idx.msk $0xffff, v5  }
0x1a2: {  	v54 =	vld [tilespmem:s17+$0x4000];
	[tilespmem:v62+s25+$0x0] =	vst.idx.msk $0xffff, v2  }
0x1a3: {  	s20 =	sadd.s32 s6, s21;
	v55 =	vmov v6;
	v25 =	vor.u32 v34, v33;
	v6 =	vld [tilespmem:$0x1FF70]  }
0x1a4: {  	s22 =	sadd.s32 s21, s15;
	s1 =	sadd.s32 $0x10, s1;
	s23 =	sor.u32 $0x100, s20;
	v21 =	vld [tilespmem:s31+$0x4000];
	v57 =	vor.u32 $0x100, v25  }
0x1a5: {  	v36 =	vor.u32 $0x180, v36;
	s3 =	sadd.s32 $0x20, s22;
	s24 =	sor.u32 $0x100, s1;
	v56 =	vor.u32 $0x100, v50;
	v37 =	vmul.f32 v37, v20;
	v58 =	vld [tilespmem:s23+$0x4000]  }
0x1a6: {  	v18 =	vor.u32 v18, v19;
	s26 =	sor.u32 $0x100, s3;
	v59 =	vmul.f32 v48, v43;
	v60 =	vld [tilespmem:s24+$0x4000];
	v5 =	vor.u32 $0x100, v31  }
0x1a7: {  	v8 =	vmul.f32 v47, v8;
	v63 =	vadd.f32 v37, v24;
	v2 =	vmul.f32 v54, v23;
	v12 =	vld [tilespmem:s26+$0x4000]  }
0x1a8: {  	v1 =	vld [tilespmem:s4+$0x4000];
	v61 =	vor.u32 $0x100, v35;
	v33 =	vadd.f32 v59, v39;
	v6 =	vor.u32 v6, v3  }
0x1a9: {  	v21 =	vmul.f32 v21, v22;
	v62 =	vld [tilespmem:s9+$0x4000];
	v2 =	vadd.f32 v2, v26;
	[tilespmem:v57+s25+$0x0] =	vst.idx.msk $0xffff, v63;
	v37 =	vor.u32 $0x100, v6  }
0x1aa: {  	v8 =	vadd.f32 v8, v14;
	s2 =	sor.u32 $0x180, s14;
	v40 =	vor.u32 $0x100, v51;
	[tilespmem:v56+s25+$0x0] =	vst.idx.msk $0xffff, v33;
	v28 =	vld [tilespmem:s12+$0x4000];
	v9 =	vmul.f32 v58, v55  }
0x1ab: {  	v0 =	vor.u32 $0x100, v0;
	v21 =	vadd.f32 v21, v27;
	v33 =	vld [tilespmem:s2+$0x4000];
	[tilespmem:v5+s25+$0x0] =	vst.idx.msk $0xffff, v2;
	v2 =	vmul.f32 v60, v38  }
0x1ac: {  	v45 =	vor.u32 $0x180, v16;
	[tilespmem:v36+s25+$0x0] =	vst.idx.msk $0xffff, v8;
	v5 =	vld [tilespmem:s19+$0x4000];
	v9 =	vadd.f32 v9, v46;
	v42 =	vmul.f32 v12, v41  }
0x1ad: {  	v47 =	vor.u32 $0x180, v18;
	v1 =	vmul.f32 v1, v11;
	[tilespmem:v61+s25+$0x0] =	vst.idx.msk $0xffff, v21;
	v2 =	vadd.f32 v2, v44  }
0x1ae: {  	s0 =	sor.u32 $0x180, s20;
	v10 =	vmul.f32 v62, v10;
	v53 =	vld [tilespmem:s10+$0x4000];
	v48 =	vadd.f32 v42, v4;
	[tilespmem:v37+s25+$0x0] =	vst.idx.msk $0xffff, v9  }
0x1af: {  	s1 =	sor.u32 $0x180, s1;
	v54 =	vor.u32 $0x180, v50;
	v8 =	vor.u32 v29, v30;
	v1 =	vadd.f32 v1, v13;
	[tilespmem:v40+s25+$0x0] =	vst.idx.msk $0xffff, v2;
	v2 =	vld [tilespmem:s0+$0x4000]  }
0x1b0: {  	s28 =	sor.u32 $0x180, s3;
	v57 =	vor.u32 $0x180, v25;
	v10 =	vadd.f32 v10, v15;
	v56 =	vmul.f32 v33, v43;
	[tilespmem:v0+s25+$0x0] =	vst.idx.msk $0xffff, v48;
	v0 =	vld [tilespmem:s1+$0x4000]  }
0x1b1: {  	v59 =	vor.u32 $0x180, v31;
	[tilespmem:v45+s25+$0x0] =	vst.idx.msk $0xffff, v1;
	v58 =	vmul.f32 v28, v20;
	v5 =	vmul.f32 v5, v23;
	v60 =	vld [tilespmem:s28+$0x4000]  }
0x1b2: {  	v8 =	vor.u32 $0x180, v8;
	v6 =	vor.u32 $0x180, v6;
	[tilespmem:v47+s25+$0x0] =	vst.idx.msk $0xffff, v10;
	v1 =	vadd.f32 v56, v39  }
0x1b3: {  	v61 =	vadd.f32 v58, v24;
	v62 =	vmul.f32 v53, v22;
	v5 =	vadd.f32 v5, v26  }
0x1b4: {  	v63 =	vor.u32 $0x180, v51;
	[tilespmem:v54+s25+$0x0] =	vst.idx.msk $0xffff, v1;
	v1 =	vor.u32 v52, v49;
	v2 =	vmul.f32 v2, v55  }
0x1b5: {  	[tilespmem:v57+s25+$0x0] =	vst.idx.msk $0xffff, v61;
	v10 =	vadd.f32 v62, v27;
	v1 =	vor.u32 $0x180, v1;
	v0 =	vmul.f32 v0, v38  }
0x1b6: {  	[tilespmem:v59+s25+$0x0] =	vst.idx.msk $0xffff, v5;
	v5 =	vmul.f32 v60, v41;
	v2 =	vadd.f32 v2, v46  }
0x1b7: {  	s29 =	rddreg [dreg:$0x14];
	[tilespmem:v8+s25+$0x0] =	vst.idx.msk $0xffff, v10;
	v0 =	vadd.f32 v0, v44  }
0x1b8: {  	s0 =	sshll.u32 s29, $0xF;
	s31 =	rddreg [dreg:$0xb];
	[tilespmem:v6+s25+$0x0] =	vst.idx.msk $0xffff, v2;
	v2 =	vadd.f32 v5, v4  }
0x1b9: {  	s0 =	sor.u32 s31, s0;
	[tilespmem:v63+s25+$0x0] =	vst.idx.msk $0xffff, v0  }
0x1ba: {  	s5 =	simm.s32 $0x80;
	s0 =	sshrl.u32 s0, $0x3;
	[tilespmem:v1+s25+$0x0] =	vst.idx.msk $0xffff, v2  }
0x1bb: {  	s3 =	simm.s32 $0xC200;
	s26 =	simm.s32 $0x8000;
	s0 =	sadd.s32 s30, s0;
	v3 =	vld [tilespmem:$0x1FFF0]  }
0x1bc: {  	s2 =	simm.s32 $0x10;
	s1 =	simm.s32 $0xC000;
	s4 =	sadd.s32 $0x0, s0  }
.LBB2_13:
0x1bd: {  	[hbm4b:s4+s5] =	stream.strided.scatter [tilespmem:s1], [sflag:$0x4], $0x200, s26, s5, $0x38;
	[tilespmem:$0x13000] =	vst v63  }
0x1be: {  	s4 =	smov.u32 s2;
	s1 =	smov.u32 s3;
	p1 =	sne.s32 s2, $0x1F0  }
.Ltmp7:
0x1bf: {  	s2 =	sadd.s32 $0x10, s2;
	(pc) =	sbr.rel @p1 .LBB2_13-.Ltmp7, $2  }
0x1c0: {  	_ =	sdelay $0x2  }
0x1c1: {  	s3 =	sadd.s32 $0x200, s3;
	s4 =	sadd.s32 s4, s0  }
.Ltmp8:
0x1c2: {  	v1 =	vld [tilespmem:$0x1FFB0];
	(pc) =	sbr.rel @p0 .LBB2_16-.Ltmp8, $4  }
0x1c3: {  	_ = 	snop  }
0x1c4: {  	v4 =	vld [tilespmem:$0x1FFC0]  }
0x1c5: {  	[hbm4b:s4+s5] =	stream.strided.scatter [tilespmem:s1], [sflag:$0x4], $0x200, s26, s5, $0x38;
	v5 =	vld [tilespmem:$0x1FFD0]  }
0x1c6: {  	s7 =	simm.s32 $0x11000;
	s8 =	simm.s32 $0x12000;
	v6 =	vld [tilespmem:$0x1FFE0];
	s13 =	rddreg [dreg:$0x12]  }
0x1c7: {  	s0 =	rddreg [dreg:$0xe]  }
0x1c8: {  	s1 =	rddreg [dreg:$0x13]  }
0x1c9: {  	s29 =	rddreg [dreg:$0x5];
	s0 =	sadd.s32 s1, s0  }
.Ltmp9:
0x1ca: {  	s0 =	sor.u32 s29, s0;
	(pc) =	sbr.rel .LBB2_6-.Ltmp9, $4  }
0x1cb: {  	s30 =	rddreg [dreg:$0x8];
	s0 =	sshll.u32 s0, $0xC  }
0x1cc: {  	s31 =	simm.s32 $0x200;
	s2 =	simm.s32 $0x400;
	s0 =	sand.u32 $0x1FFFF000, s0  }
0x1cd: {  	s3 =	simm.s32 $0x4000;
	s13 =	sadd.s32 $0x1, s13;
	s0 =	sadd.s32 s0, s30  }
0x1ce: {  	[tilespmem:s3], [sflag:$0x2] =	stream.strided.gather [hbm4b:s0+s31], $0x4000, s2, s31, $0x38;
	[tilespmem:$0x13000] =	vst v63  }
.LBB2_17:
0x1cf: {  	_ =	sfence.sel $0x180000  }
0x1d0: {  	[bflag:$0x0] =	sbarrier.arrive $0xFFFF  }
0x1d1: {  	_ =	strace $0x90000047  }
0x1d2: {  	s0 =	stileid.u32;
	[bflag:$0x2] =	sbarrier.arrive $0xFFFF  }
0x1d3: {  	p0 =	sne.s32 s0, $0x0;
	s0 =	rddreg [dreg:$0x4]  }
0x1d4: {  	s0 =	sadd.s32 @!p0 $0x100000, s0  }
0x1d5: {  	[sflag:s0] =	ssyncadd.tile.s32 @!p0 $0x1;
	_ =	shalt  }
.Lfunc_end2:
_tile_overlayer_lowered:
.L_overlay_start_2:
0x1d6: {  	(tag) =	ssettag $0x2  }
0x1d7: {  	s0 =	rddreg [dreg:$0x0];
	s2 =	stileid.u32  }
0x1d8: {  	s1 =	rddreg [dreg:$0x1];
	p0 =	sne.s32 s2, $0x0  }
0x1d9: {  	s3 =	rddreg [dreg:$0x2];
	[bflag:$0x3] =	sbarrier.arrive $0xFFFF;
	s2 =	simm.s32 @!p0 $0x1C05  }
0x1da: {  	[timem:s3], [sflag:s2] =	dma.local @!p0 [hbm:s0], s1  }
0x1db: {  	s0 =	simm.s32 @!p0 $0x5  }
0x1dc: {  	_ =	swait.ge @!p0 [sflag:s0], s1  }
0x1dd: {  	s1 =	ssub.s32 @!p0 $0x0, s1;
	[sflag:s0] =	ssyncset.done @!p0 $0x0  }
0x1de: {  	[sflag:s0] =	ssyncadd.s32 @!p0 s1  }
0x1df: {  	[bflag:$0x3] =	sbarrier.arrive $0xFFFF  }
0x1e0: {  	_ =	shalt  }

</sc_bundles>
